<compile_context>
chip_gen: v7x
topology: tpu7x:2x2x1
jax: 0.10.2.dev20260603
libtpu: 0.0.44.dev20260713+nightly
codegen_flags: <defaults>
</compile_context>

<pallas_src>
import functools

import jax
import jax.numpy as jnp
from jax import lax
from jax.experimental import pallas as pl
from jax.experimental.pallas import tpu as pltpu
from jax.experimental.pallas import tpu_sc as plsc

M = 100000
E = 128
K = 33
KP = 48
B = 10000
NB = M // B
DELTA_PULL = 0.5
DELTA_PUSH = 1.5
ALPHA = 1.0
BETA = 1.0
GAMMA = 0.001

NC = 2
NS = 16
NW = NC * NS
RTC = 80000
RSC = M - RTC
CH = 128
NCHF = RSC // CH
TAIL = RSC - NCHF * CH
ROUNDS = (NCHF + NW - 1) // NW
B1 = 10000
NB1 = RTC // B1

def _sc_segment_sums(embeddings, labels_i32, zsums, zcnts, ones_cnt):
    mesh = plsc.VectorSubcoreMesh(
        core_axis_name="c", subcore_axis_name="s",
        num_cores=NC, num_subcores=NS)

    @functools.partial(
        pl.kernel,
        out_type=[
            jax.ShapeDtypeStruct((NC, KP, E), jnp.float32),
            jax.ShapeDtypeStruct((NC, KP, E), jnp.float32),
        ],
        mesh=mesh,
        scratch_types=[
            pltpu.VMEM((CH, E), jnp.float32),
            pltpu.VMEM((CH, E), jnp.float32),
            pltpu.VMEM((CH,), jnp.int32),
            pltpu.VMEM((CH,), jnp.int32),
            pltpu.VMEM((TAIL, E), jnp.float32),
            pltpu.VMEM((TAIL,), jnp.int32),
            pltpu.VMEM((CH, E), jnp.float32),
            pltpu.VMEM_SHARED((KP, E), jnp.float32),
            pltpu.VMEM_SHARED((KP, E), jnp.float32),
            pltpu.SemaphoreType.DMA,
            pltpu.SemaphoreType.DMA,
            pltpu.SemaphoreType.DMA,
            pltpu.SemaphoreType.DMA,
        ])
    def k(emb_hbm, lab_hbm, zs_hbm, zc_hbm, ones_hbm, sums_out, cnts_out,
          buf0, buf1, idx0, idx1, buft, idxt, onesv, tbl, ctbl,
          sem_st0, sem_st1, sem_sc0, sem_sc1):
        c = lax.axis_index("c")
        s = lax.axis_index("s")
        gw = c * NS + s

        bufs = (buf0, buf1)
        idxs = (idx0, idx1)
        sem_st = (sem_st0, sem_st1)
        sem_sc = (sem_sc0, sem_sc1)

        pltpu.sync_copy(ones_hbm, onesv)

        @pl.when(s == 0)
        def _zero():
            pltpu.sync_copy(zs_hbm, tbl)
            pltpu.sync_copy(zc_hbm, ctbl)

        plsc.subcore_barrier()

        def cid_of(k_it):
            return gw + NW * k_it

        def stage(k_it, b):
            base = RTC + cid_of(k_it) * CH
            pltpu.async_copy(emb_hbm.at[pl.ds(base, CH)], bufs[b], sem_st[b])
            pltpu.async_copy(lab_hbm.at[pl.ds(base, CH)], idxs[b], sem_st[b])

        def wait_stage(b):
            pltpu.make_async_copy(
                emb_hbm.at[pl.ds(0, CH)], bufs[b], sem_st[b]).wait()
            pltpu.make_async_copy(
                lab_hbm.at[pl.ds(0, CH)], idxs[b], sem_st[b]).wait()

        def fire_scatter(b):
            pltpu.async_copy(bufs[b], tbl.at[idxs[b]], sem_sc[b], add=True)
            pltpu.async_copy(onesv, ctbl.at[idxs[b]], sem_sc[b], add=True)

        def drain_scatter(b):
            pltpu.make_async_copy(bufs[b], tbl.at[idxs[b]], sem_sc[b]).wait()
            pltpu.make_async_copy(onesv, ctbl.at[idxs[b]], sem_sc[b]).wait()

        @pl.when(cid_of(0) < NCHF)
        def _prime():
            stage(0, 0)

        for k_it in range(ROUNDS):
            b = k_it % 2
            if k_it >= 1:
                @pl.when(cid_of(k_it - 1) < NCHF)
                def _drain_prev(b=b):
                    drain_scatter(1 - b)

            @pl.when(cid_of(k_it) < NCHF)
            def _iter(k_it=k_it, b=b):
                if k_it + 1 < ROUNDS:
                    @pl.when(cid_of(k_it + 1) < NCHF)
                    def _next():
                        stage(k_it + 1, 1 - b)
                wait_stage(b)
                fire_scatter(b)

        @pl.when(cid_of(ROUNDS - 1) < NCHF)
        def _drain_last():
            drain_scatter((ROUNDS - 1) % 2)

        @pl.when(gw == NW - 1)
        def _tail():
            base = RTC + NCHF * CH
            pltpu.sync_copy(emb_hbm.at[pl.ds(base, TAIL)], buft)
            pltpu.sync_copy(lab_hbm.at[pl.ds(base, TAIL)], idxt)
            pltpu.async_copy(buft, tbl.at[idxt], sem_sc0, add=True).wait()
            pltpu.async_copy(onesv.at[pl.ds(0, TAIL)], ctbl.at[idxt],
                             sem_sc1, add=True).wait()

        plsc.subcore_barrier()

        @pl.when(s == 0)
        def _flush():
            pltpu.sync_copy(tbl, sums_out.at[c])
            pltpu.sync_copy(ctbl, cnts_out.at[c])

    return k(embeddings, labels_i32, zsums, zcnts, ones_cnt)




def _tc_p1_body(labr_ref, emb_ref, sums_ref, counts_ref):
    g = pl.program_id(0)

    @pl.when(g == 0)
    def _init():
        sums_ref[...] = jnp.zeros_like(sums_ref)
        counts_ref[...] = jnp.zeros_like(counts_ref)

    lab_r = labr_ref[0]
    iota_col = jax.lax.broadcasted_iota(jnp.int32, (KP, 1), 0)
    onehot_kb = (iota_col == lab_r).astype(jnp.float32)
    emb = emb_ref[...]
    sums_ref[...] += jax.lax.dot_general(
        onehot_kb, emb, (((1,), (0,)), ((), ())),
        preferred_element_type=jnp.float32)
    counts_ref[...] += jnp.sum(onehot_kb, axis=1, keepdims=True)


def _tc_partial_sums(embeddings, labi):
    lab_row = labi.reshape(M // B1, 1, B1)
    return pl.pallas_call(
        _tc_p1_body,
        grid=(NB1,),
        in_specs=[
            pl.BlockSpec((1, 1, B1), lambda g: (g, 0, 0)),
            pl.BlockSpec((B1, E), lambda g: (g, 0)),
        ],
        out_specs=[
            pl.BlockSpec((KP, E), lambda g: (0, 0)),
            pl.BlockSpec((KP, 1), lambda g: (0, 0)),
        ],
        out_shape=[
            jax.ShapeDtypeStruct((KP, E), jnp.float32),
            jax.ShapeDtypeStruct((KP, 1), jnp.float32),
        ],
    )(lab_row, embeddings)


def _tc_body(labr_ref, emb_ref, sums_ref, cnts_ref, stc_ref, ctc_ref, out_ref,
             means_ref, msqh_ref, msq_ref, counts_ref, pulls_ref):
    g = pl.program_id(0)

    @pl.when(g == 0)
    def _init():
        sums = sums_ref[0] + sums_ref[1] + stc_ref[...]
        counts = (cnts_ref[0, :, 0:1] + cnts_ref[1, :, 0:1]
                  + ctc_ref[...])
        counts_ref[...] = counts
        safe = jnp.maximum(counts, 1.0)
        means = sums / safe
        means_ref[...] = means
        msq = jnp.sum(means * means, axis=1, keepdims=True)
        msq_ref[...] = msq
        msqh_ref[...] = 0.5 * msq
        pulls_ref[...] = jnp.zeros_like(pulls_ref)

    lab_r = labr_ref[0]
    iota_col = jax.lax.broadcasted_iota(jnp.int32, (KP, 1), 0)
    onehot_kb = (iota_col == lab_r).astype(jnp.float32)
    emb = emb_ref[...]
    dotsT = jax.lax.dot_general(
        means_ref[...], emb, (((1,), (1,)), ((), ())),
        preferred_element_type=jnp.float32)
    e2 = jax.lax.dot_general(
        jnp.ones((1, E), jnp.float32), emb * emb, (((1,), (1,)), ((), ())),
        preferred_element_type=jnp.float32)
    sel = jnp.sum((dotsT - msqh_ref[...]) * onehot_kb, axis=0,
                  keepdims=True)
    d2 = jnp.maximum(e2 - 2.0 * sel, 0.0)
    dist = jnp.sqrt(d2 + 1e-12)
    pull_r = jnp.square(jnp.maximum(dist - DELTA_PULL, 0.0))
    pulls_ref[...] += jnp.sum(onehot_kb * pull_r, axis=1, keepdims=True)

    @pl.when(g == NB - 1)
    def _final():
        counts = counts_ref[...]
        safe = jnp.maximum(counts, 1.0)
        iota_c = jax.lax.broadcasted_iota(jnp.int32, (KP, 1), 0)
        valid = (counts > 0.0) & (iota_c > 0)
        validf = valid.astype(jnp.float32)
        C = jnp.sum(validf)
        Cs = jnp.maximum(C, 1.0)

        ii = jax.lax.broadcasted_iota(jnp.int32, (KP, KP), 0)
        jj = jax.lax.broadcasted_iota(jnp.int32, (KP, KP), 1)
        eye = (ii == jj).astype(jnp.float32)
        safe_row = jnp.sum(eye * safe, axis=0, keepdims=True)
        valid_rowf = jnp.sum(eye * validf, axis=0, keepdims=True)
        msq_col = msq_ref[...]
        msq_row = jnp.sum(eye * msq_col, axis=0, keepdims=True)

        pull_loss = jnp.sum(
            jnp.where(valid, pulls_ref[...] / safe, 0.0)) / Cs

        means = means_ref[...]
        G = jax.lax.dot_general(
            means, means, (((1,), (1,)), ((), ())),
            preferred_element_type=jnp.float32)
        sq = jnp.maximum(msq_col + msq_row - 2.0 * G, 0.0)
        pm = validf * valid_rowf * (ii < jj).astype(jnp.float32)
        d = jnp.sqrt(jnp.where(pm > 0.0, sq, 1.0))
        push = jnp.square(jnp.maximum(2.0 * DELTA_PUSH - d, 0.0))
        n_pairs = jnp.sum(pm)
        push_loss = jnp.where(
            n_pairs > 0.0, jnp.sum(push * pm) / jnp.maximum(n_pairs, 1.0), 0.0)

        mnorm = jnp.sqrt(jnp.where(valid, msq_col, 1.0))
        reg_loss = jnp.sum(jnp.where(valid, mnorm, 0.0)) / Cs

        total = ALPHA * pull_loss + BETA * push_loss + GAMMA * reg_loss
        out_ref[...] = jnp.broadcast_to(total, (1, 1))


@jax.jit
def kernel(embeddings, instance_labels):
    labi = instance_labels.astype(jnp.int32)
    zsums = jnp.zeros((KP, E), jnp.float32)
    zcnts = jnp.zeros((KP, E), jnp.float32)
    ones_cnt = jnp.ones((CH, E), jnp.float32)
    sums2, cnts2 = _sc_segment_sums(embeddings, labi, zsums, zcnts, ones_cnt)
    sums_tc, cnts_tc = _tc_partial_sums(embeddings, labi)

    lab_row = labi.reshape(NB, 1, B)
    out = pl.pallas_call(
        _tc_body,
        grid=(NB,),
        in_specs=[
            pl.BlockSpec((1, 1, B), lambda g: (g, 0, 0)),
            pl.BlockSpec((B, E), lambda g: (g, 0)),
            pl.BlockSpec((NC, KP, E), lambda g: (0, 0, 0)),
            pl.BlockSpec((NC, KP, E), lambda g: (0, 0, 0)),
            pl.BlockSpec((KP, E), lambda g: (0, 0)),
            pl.BlockSpec((KP, 1), lambda g: (0, 0)),
        ],
        out_specs=pl.BlockSpec((1, 1), lambda g: (0, 0)),
        out_shape=jax.ShapeDtypeStruct((1, 1), jnp.float32),
        scratch_shapes=[
            pltpu.VMEM((KP, E), jnp.float32),
            pltpu.VMEM((KP, 1), jnp.float32),
            pltpu.VMEM((KP, 1), jnp.float32),
            pltpu.VMEM((KP, 1), jnp.float32),
            pltpu.VMEM((KP, 1), jnp.float32),
        ],
    )(lab_row, embeddings, sums2, cnts2, sums_tc, cnts_tc)
    return out.reshape(())

# --- scband reference (transcript-rebuilt; emitter-appended) ---
"""Pipeline reference for scband-discriminative-loss-12979391169049 (READ-ONLY COPY).

The authoritative reference and input builder live on the scoring server;
editing this copy changes nothing except your own understanding.
"""

import jax, jax.numpy as jnp
import numpy as np

M = 100000
E = 128
K = 33  # label ids 0..32, 0 = background
DELTA_PULL = 0.5
DELTA_PUSH = 1.5
ALPHA = 1.0
BETA = 1.0
GAMMA = 0.001


def setup_inputs(seed: int = 0) -> dict:
    key = jax.random.key(seed)
    k1, k2 = jax.random.split(key)
    embeddings = jax.random.normal(k1, (M, E), dtype=jnp.float32)
    instance_labels = jax.random.randint(k2, (M,), 0, K, dtype=jnp.int64)
    return {"embeddings": embeddings, "instance_labels": instance_labels}


def reference(embeddings, instance_labels):
    fg = instance_labels > 0
    w = fg.astype(jnp.float32)
    labels = jnp.where(fg, instance_labels, 0)

    # per-instance means (segment reduce over K segments)
    counts = jax.ops.segment_sum(w, labels, num_segments=K)
    sums = jax.ops.segment_sum(embeddings * w[:, None], labels, num_segments=K)
    safe_counts = jnp.maximum(counts, 1.0)
    means = sums / safe_counts[:, None]  # [K, E]
    valid = counts > 0
    valid = valid.at[0].set(False)  # exclude background id 0
    C = jnp.sum(valid.astype(jnp.float32))

    # pull loss: per-voxel distance to its instance mean, averaged per instance then over instances
    mean_per_voxel = jnp.take(means, labels, axis=0)  # gather [M, E]
    dist = jnp.sqrt(jnp.sum((embeddings - mean_per_voxel) ** 2, axis=1) + 1e-12)
    pull = jnp.clip(dist - DELTA_PULL, 0.0) ** 2 * w
    pull_per_inst = jax.ops.segment_sum(pull, labels, num_segments=K) / safe_counts
    pull_loss = jnp.sum(jnp.where(valid, pull_per_inst, 0.0)) / jnp.maximum(C, 1.0)

    # push loss: all pairs of distinct valid instance means
    diff = means[:, None, :] - means[None, :, :]
    sq = jnp.sum(diff ** 2, axis=-1)
    pair_mask = valid[:, None] & valid[None, :] & jnp.triu(jnp.ones((K, K), dtype=bool), 1)
    d = jnp.sqrt(jnp.where(pair_mask, sq, 1.0))
    push = jnp.clip(2.0 * DELTA_PUSH - d, 0.0) ** 2
    n_pairs = jnp.sum(pair_mask.astype(jnp.float32))
    push_loss = jnp.sum(jnp.where(pair_mask, push, 0.0)) / jnp.maximum(n_pairs, 1.0)
    push_loss = jnp.where(n_pairs > 0, push_loss, 0.0)

    # reg loss: mean norm of instance means
    mnorm = jnp.sqrt(jnp.where(valid, jnp.sum(means ** 2, axis=1), 1.0))
    reg_loss = jnp.sum(jnp.where(valid, mnorm, 0.0)) / jnp.maximum(C, 1.0)

    total = ALPHA * pull_loss + BETA * push_loss + GAMMA * reg_loss
    return total

if __name__ == "__main__":
    import jax
    _d = setup_inputs()
    print(jax.jit(kernel)(*tuple(_d.values())))

</pallas_src>

<mosaic_0001>
#map = affine_map<(d0, d1) -> (0, 0)>
#map1 = affine_map<(d0, d1) -> (0)>
#map2 = affine_map<(d0, d1) -> (0, 0, 0)>
module attributes {stable_mosaic.version = 14 : i64} {
  func.func @k(%arg0: i32, %arg1: i32, %arg2: memref<100000x128xf32, #tpu.memory_space<hbm>>, %arg3: memref<100000xi32, #tpu.memory_space<hbm>>, %arg4: memref<48x128xf32, #tpu.memory_space<hbm>>, %arg5: memref<48x128xf32, #tpu.memory_space<hbm>>, %arg6: memref<128x128xf32, #tpu.memory_space<hbm>>, %arg7: memref<2x48x128xf32, #tpu.memory_space<hbm>>, %arg8: memref<2x48x128xf32, #tpu.memory_space<hbm>>, %arg9: memref<128x128xf32, #tpu.memory_space<vmem>>, %arg10: memref<128x128xf32, #tpu.memory_space<vmem>>, %arg11: memref<128xi32, #tpu.memory_space<vmem>>, %arg12: memref<128xi32, #tpu.memory_space<vmem>>, %arg13: memref<32x128xf32, #tpu.memory_space<vmem>>, %arg14: memref<32xi32, #tpu.memory_space<vmem>>, %arg15: memref<128x128xf32, #tpu.memory_space<vmem>>, %arg16: memref<48x128xf32, #tpu.memory_space<vmem_shared>>, %arg17: memref<48x128xf32, #tpu.memory_space<vmem_shared>>, %arg18: memref<!tpu.dma_semaphore, #tpu.memory_space<semaphore_mem>>, %arg19: memref<!tpu.dma_semaphore, #tpu.memory_space<semaphore_mem>>, %arg20: memref<!tpu.dma_semaphore, #tpu.memory_space<semaphore_mem>>, %arg21: memref<!tpu.dma_semaphore, #tpu.memory_space<semaphore_mem>>) attributes {dimension_semantics = [#tpu.dimension_semantics<core_parallel>, #tpu.dimension_semantics<subcore_parallel>], iteration_bounds = array<i64: 2, 16>, scalar_prefetch = 0 : i64, scratch_operands = 13 : i64, tpu.core_type = #tpu.core_type<sc_vector_subcore>, window_params = [{transform_indices = #map}, {transform_indices = #map1}, {transform_indices = #map}, {transform_indices = #map}, {transform_indices = #map}, {transform_indices = #map2}, {transform_indices = #map2}]} {
    %mul3A = arith.constant 16 : i32
    %mul3A_0 = arith.muli %arg0, %mul3A : i32
    %add3A = arith.addi %mul3A_0, %arg1 : i32
    "tpu.region"() ({
      %run_scoped3A = tpu.sem_alloc : memref<!tpu.dma_semaphore, #tpu.memory_space<semaphore_mem>>
      tpu.enqueue_dma source(%arg6 : memref<128x128xf32, #tpu.memory_space<hbm>>) target(%arg15 : memref<128x128xf32, #tpu.memory_space<vmem>>) target_semaphore(%run_scoped3A : memref<!tpu.dma_semaphore, #tpu.memory_space<semaphore_mem>>)
      tpu.wait_dma2 semaphore(%run_scoped3A : memref<!tpu.dma_semaphore, #tpu.memory_space<semaphore_mem>>) src(%arg6 : memref<128x128xf32, #tpu.memory_space<hbm>>) dst(%arg15 : memref<128x128xf32, #tpu.memory_space<vmem>>)
      tpu.yield
    }) : () -> ()
    %eq3A = arith.constant 0 : i32
    %eq3A_1 = arith.cmpi eq, %arg1, %eq3A : i32
    %convert_element_type3A = arith.extui %eq3A_1 : i1 to i32
    %cond3A = arith.constant 0 : i32
    %cond3A_2 = arith.cmpi ne, %convert_element_type3A, %cond3A : i32
    scf.if %cond3A_2 {
      "tpu.region"() ({
        %run_scoped3A = tpu.sem_alloc : memref<!tpu.dma_semaphore, #tpu.memory_space<semaphore_mem>>
        tpu.enqueue_dma source(%arg4 : memref<48x128xf32, #tpu.memory_space<hbm>>) target(%arg16 : memref<48x128xf32, #tpu.memory_space<vmem_shared>>) target_semaphore(%run_scoped3A : memref<!tpu.dma_semaphore, #tpu.memory_space<semaphore_mem>>)
        tpu.wait_dma2 semaphore(%run_scoped3A : memref<!tpu.dma_semaphore, #tpu.memory_space<semaphore_mem>>) src(%arg4 : memref<48x128xf32, #tpu.memory_space<hbm>>) dst(%arg16 : memref<48x128xf32, #tpu.memory_space<vmem_shared>>)
        tpu.yield
      }) : () -> ()
      "tpu.region"() ({
        %run_scoped3A = tpu.sem_alloc : memref<!tpu.dma_semaphore, #tpu.memory_space<semaphore_mem>>
        tpu.enqueue_dma source(%arg5 : memref<48x128xf32, #tpu.memory_space<hbm>>) target(%arg17 : memref<48x128xf32, #tpu.memory_space<vmem_shared>>) target_semaphore(%run_scoped3A : memref<!tpu.dma_semaphore, #tpu.memory_space<semaphore_mem>>)
        tpu.wait_dma2 semaphore(%run_scoped3A : memref<!tpu.dma_semaphore, #tpu.memory_space<semaphore_mem>>) src(%arg5 : memref<48x128xf32, #tpu.memory_space<hbm>>) dst(%arg17 : memref<48x128xf32, #tpu.memory_space<vmem_shared>>)
        tpu.yield
      }) : () -> ()
    } else {
    }
    %barrier3A = arith.constant 0 : index
    tpu.barrier barrier_id(%barrier3A)
    %add3A_3 = arith.constant 0 : i32
    %add3A_4 = arith.addi %add3A, %add3A_3 : i32
    %lt3A = arith.constant 156 : i32
    %lt3A_5 = arith.cmpi slt, %add3A_4, %lt3A : i32
    %convert_element_type3A_6 = arith.extui %lt3A_5 : i1 to i32
    %cond3A_7 = arith.constant 0 : i32
    %cond3A_8 = arith.cmpi ne, %convert_element_type3A_6, %cond3A_7 : i32
    scf.if %cond3A_8 {
      %add3A_90 = arith.constant 0 : i32
      %add3A_91 = arith.addi %add3A, %add3A_90 : i32
      %mul3A_92 = arith.constant 128 : i32
      %mul3A_93 = arith.muli %add3A_91, %mul3A_92 : i32
      %add3A_94 = arith.constant 80000 : i32
      %add3A_95 = arith.addi %add3A_94, %mul3A_93 : i32
      %dma_start3A = arith.constant 0 : i32
      %dma_start3A_96 = tpu.memref_slice %arg2[%add3A_95, %dma_start3A] : memref<100000x128xf32, #tpu.memory_space<hbm>> -> memref<128x128xf32, #tpu.memory_space<hbm>>
      %dma_start3A_97 = arith.constant 0 : i32
      %dma_start3A_98 = tpu.memref_slice %arg2[%add3A_95, %dma_start3A_97] : memref<100000x128xf32, #tpu.memory_space<hbm>> -> memref<128x128xf32, #tpu.memory_space<hbm>>
      tpu.enqueue_dma source(%dma_start3A_98 : memref<128x128xf32, #tpu.memory_space<hbm>>) target(%arg9 : memref<128x128xf32, #tpu.memory_space<vmem>>) target_semaphore(%arg18 : memref<!tpu.dma_semaphore, #tpu.memory_space<semaphore_mem>>)
      %dma_start3A_99 = tpu.memref_slice %arg3[%add3A_95] : memref<100000xi32, #tpu.memory_space<hbm>> -> memref<128xi32, #tpu.memory_space<hbm>>
      %dma_start3A_100 = tpu.memref_slice %arg3[%add3A_95] : memref<100000xi32, #tpu.memory_space<hbm>> -> memref<128xi32, #tpu.memory_space<hbm>>
      tpu.enqueue_dma source(%dma_start3A_100 : memref<128xi32, #tpu.memory_space<hbm>>) target(%arg11 : memref<128xi32, #tpu.memory_space<vmem>>) target_semaphore(%arg18 : memref<!tpu.dma_semaphore, #tpu.memory_space<semaphore_mem>>)
    } else {
    }
    %add3A_9 = arith.constant 0 : i32
    %add3A_10 = arith.addi %add3A, %add3A_9 : i32
    %lt3A_11 = arith.constant 156 : i32
    %lt3A_12 = arith.cmpi slt, %add3A_10, %lt3A_11 : i32
    %convert_element_type3A_13 = arith.extui %lt3A_12 : i1 to i32
    %cond3A_14 = arith.constant 0 : i32
    %cond3A_15 = arith.cmpi ne, %convert_element_type3A_13, %cond3A_14 : i32
    scf.if %cond3A_15 {
      %add3A_90 = arith.constant 32 : i32
      %add3A_91 = arith.addi %add3A, %add3A_90 : i32
      %lt3A_92 = arith.constant 156 : i32
      %lt3A_93 = arith.cmpi slt, %add3A_91, %lt3A_92 : i32
      %convert_element_type3A_94 = arith.extui %lt3A_93 : i1 to i32
      %cond3A_95 = arith.constant 0 : i32
      %cond3A_96 = arith.cmpi ne, %convert_element_type3A_94, %cond3A_95 : i32
      scf.if %cond3A_96 {
        %add3A_111 = arith.constant 32 : i32
        %add3A_112 = arith.addi %add3A, %add3A_111 : i32
        %mul3A_113 = arith.constant 128 : i32
        %mul3A_114 = arith.muli %add3A_112, %mul3A_113 : i32
        %add3A_115 = arith.constant 80000 : i32
        %add3A_116 = arith.addi %add3A_115, %mul3A_114 : i32
        %dma_start3A_117 = arith.constant 0 : i32
        %dma_start3A_118 = tpu.memref_slice %arg2[%add3A_116, %dma_start3A_117] : memref<100000x128xf32, #tpu.memory_space<hbm>> -> memref<128x128xf32, #tpu.memory_space<hbm>>
        %dma_start3A_119 = arith.constant 0 : i32
        %dma_start3A_120 = tpu.memref_slice %arg2[%add3A_116, %dma_start3A_119] : memref<100000x128xf32, #tpu.memory_space<hbm>> -> memref<128x128xf32, #tpu.memory_space<hbm>>
        tpu.enqueue_dma source(%dma_start3A_120 : memref<128x128xf32, #tpu.memory_space<hbm>>) target(%arg10 : memref<128x128xf32, #tpu.memory_space<vmem>>) target_semaphore(%arg19 : memref<!tpu.dma_semaphore, #tpu.memory_space<semaphore_mem>>)
        %dma_start3A_121 = tpu.memref_slice %arg3[%add3A_116] : memref<100000xi32, #tpu.memory_space<hbm>> -> memref<128xi32, #tpu.memory_space<hbm>>
        %dma_start3A_122 = tpu.memref_slice %arg3[%add3A_116] : memref<100000xi32, #tpu.memory_space<hbm>> -> memref<128xi32, #tpu.memory_space<hbm>>
        tpu.enqueue_dma source(%dma_start3A_122 : memref<128xi32, #tpu.memory_space<hbm>>) target(%arg12 : memref<128xi32, #tpu.memory_space<vmem>>) target_semaphore(%arg19 : memref<!tpu.dma_semaphore, #tpu.memory_space<semaphore_mem>>)
      } else {
      }
      %dma_wait3A = arith.constant 0 : i32
      %dma_wait3A_97 = arith.constant 0 : i32
      %dma_wait3A_98 = tpu.memref_slice %arg2[%dma_wait3A, %dma_wait3A_97] : memref<100000x128xf32, #tpu.memory_space<hbm>> -> memref<128x128xf32, #tpu.memory_space<hbm>>
      %dma_wait3A_99 = arith.constant 0 : i32
      %dma_wait3A_100 = arith.constant 0 : i32
      %dma_wait3A_101 = tpu.memref_slice %arg2[%dma_wait3A_99, %dma_wait3A_100] : memref<100000x128xf32, #tpu.memory_space<hbm>> -> memref<128x128xf32, #tpu.memory_space<hbm>>
      tpu.wait_dma2 semaphore(%arg18 : memref<!tpu.dma_semaphore, #tpu.memory_space<semaphore_mem>>) src(%dma_wait3A_101 : memref<128x128xf32, #tpu.memory_space<hbm>>) dst(%arg9 : memref<128x128xf32, #tpu.memory_space<vmem>>)
      %dma_wait3A_102 = arith.constant 0 : i32
      %dma_wait3A_103 = tpu.memref_slice %arg3[%dma_wait3A_102] : memref<100000xi32, #tpu.memory_space<hbm>> -> memref<128xi32, #tpu.memory_space<hbm>>
      %dma_wait3A_104 = arith.constant 0 : i32
      %dma_wait3A_105 = tpu.memref_slice %arg3[%dma_wait3A_104] : memref<100000xi32, #tpu.memory_space<hbm>> -> memref<128xi32, #tpu.memory_space<hbm>>
      tpu.wait_dma2 semaphore(%arg18 : memref<!tpu.dma_semaphore, #tpu.memory_space<semaphore_mem>>) src(%dma_wait3A_105 : memref<128xi32, #tpu.memory_space<hbm>>) dst(%arg11 : memref<128xi32, #tpu.memory_space<vmem>>)
      %dma_start3A = arith.constant 0 : i32
      %dma_start3A_106 = arith.constant 0 : i32
      %dma_start3A_107 = tpu.memref_slice %arg16[%dma_start3A, %dma_start3A_106] : memref<48x128xf32, #tpu.memory_space<vmem_shared>> -> memref<48x128xf32, #tpu.memory_space<vmem_shared>>
      tpu.enqueue_indirect_dma source(%arg9 : memref<128x128xf32, #tpu.memory_space<vmem>>) target(%dma_start3A_107 : memref<48x128xf32, #tpu.memory_space<vmem_shared>>) offsets(%arg11 : memref<128xi32, #tpu.memory_space<vmem>>) semaphore(%arg20 : memref<!tpu.dma_semaphore, #tpu.memory_space<semaphore_mem>>) {add = true}
      %dma_start3A_108 = arith.constant 0 : i32
      %dma_start3A_109 = arith.constant 0 : i32
      %dma_start3A_110 = tpu.memref_slice %arg17[%dma_start3A_108, %dma_start3A_109] : memref<48x128xf32, #tpu.memory_space<vmem_shared>> -> memref<48x128xf32, #tpu.memory_space<vmem_shared>>
      tpu.enqueue_indirect_dma source(%arg15 : memref<128x128xf32, #tpu.memory_space<vmem>>) target(%dma_start3A_110 : memref<48x128xf32, #tpu.memory_space<vmem_shared>>) offsets(%arg11 : memref<128xi32, #tpu.memory_space<vmem>>) semaphore(%arg20 : memref<!tpu.dma_semaphore, #tpu.memory_space<semaphore_mem>>) {add = true}
    } else {
    }
    %add3A_16 = arith.constant 0 : i32
    %add3A_17 = arith.addi %add3A, %add3A_16 : i32
    %lt3A_18 = arith.constant 156 : i32
    %lt3A_19 = arith.cmpi slt, %add3A_17, %lt3A_18 : i32
    %convert_element_type3A_20 = arith.extui %lt3A_19 : i1 to i32
    %cond3A_21 = arith.constant 0 : i32
    %cond3A_22 = arith.cmpi ne, %convert_element_type3A_20, %cond3A_21 : i32
    scf.if %cond3A_22 {
      %dma_wait3A = arith.constant 0 : i32
      %dma_wait3A_90 = arith.constant 0 : i32
      %dma_wait3A_91 = tpu.memref_slice %arg16[%dma_wait3A, %dma_wait3A_90] : memref<48x128xf32, #tpu.memory_space<vmem_shared>> -> memref<48x128xf32, #tpu.memory_space<vmem_shared>>
      tpu.wait_indirect_dma semaphore(%arg20 : memref<!tpu.dma_semaphore, #tpu.memory_space<semaphore_mem>>) src(%arg9 : memref<128x128xf32, #tpu.memory_space<vmem>>) dst(%dma_wait3A_91 : memref<48x128xf32, #tpu.memory_space<vmem_shared>>)
      %dma_wait3A_92 = arith.constant 0 : i32
      %dma_wait3A_93 = arith.constant 0 : i32
      %dma_wait3A_94 = tpu.memref_slice %arg17[%dma_wait3A_92, %dma_wait3A_93] : memref<48x128xf32, #tpu.memory_space<vmem_shared>> -> memref<48x128xf32, #tpu.memory_space<vmem_shared>>
      tpu.wait_indirect_dma semaphore(%arg20 : memref<!tpu.dma_semaphore, #tpu.memory_space<semaphore_mem>>) src(%arg15 : memref<128x128xf32, #tpu.memory_space<vmem>>) dst(%dma_wait3A_94 : memref<48x128xf32, #tpu.memory_space<vmem_shared>>)
    } else {
    }
    %add3A_23 = arith.constant 32 : i32
    %add3A_24 = arith.addi %add3A, %add3A_23 : i32
    %lt3A_25 = arith.constant 156 : i32
    %lt3A_26 = arith.cmpi slt, %add3A_24, %lt3A_25 : i32
    %convert_element_type3A_27 = arith.extui %lt3A_26 : i1 to i32
    %cond3A_28 = arith.constant 0 : i32
    %cond3A_29 = arith.cmpi ne, %convert_element_type3A_27, %cond3A_28 : i32
    scf.if %cond3A_29 {
      %add3A_90 = arith.constant 64 : i32
      %add3A_91 = arith.addi %add3A, %add3A_90 : i32
      %lt3A_92 = arith.constant 156 : i32
      %lt3A_93 = arith.cmpi slt, %add3A_91, %lt3A_92 : i32
      %convert_element_type3A_94 = arith.extui %lt3A_93 : i1 to i32
      %cond3A_95 = arith.constant 0 : i32
      %cond3A_96 = arith.cmpi ne, %convert_element_type3A_94, %cond3A_95 : i32
      scf.if %cond3A_96 {
        %add3A_111 = arith.constant 64 : i32
        %add3A_112 = arith.addi %add3A, %add3A_111 : i32
        %mul3A_113 = arith.constant 128 : i32
        %mul3A_114 = arith.muli %add3A_112, %mul3A_113 : i32
        %add3A_115 = arith.constant 80000 : i32
        %add3A_116 = arith.addi %add3A_115, %mul3A_114 : i32
        %dma_start3A_117 = arith.constant 0 : i32
        %dma_start3A_118 = tpu.memref_slice %arg2[%add3A_116, %dma_start3A_117] : memref<100000x128xf32, #tpu.memory_space<hbm>> -> memref<128x128xf32, #tpu.memory_space<hbm>>
        %dma_start3A_119 = arith.constant 0 : i32
        %dma_start3A_120 = tpu.memref_slice %arg2[%add3A_116, %dma_start3A_119] : memref<100000x128xf32, #tpu.memory_space<hbm>> -> memref<128x128xf32, #tpu.memory_space<hbm>>
        tpu.enqueue_dma source(%dma_start3A_120 : memref<128x128xf32, #tpu.memory_space<hbm>>) target(%arg9 : memref<128x128xf32, #tpu.memory_space<vmem>>) target_semaphore(%arg18 : memref<!tpu.dma_semaphore, #tpu.memory_space<semaphore_mem>>)
        %dma_start3A_121 = tpu.memref_slice %arg3[%add3A_116] : memref<100000xi32, #tpu.memory_space<hbm>> -> memref<128xi32, #tpu.memory_space<hbm>>
        %dma_start3A_122 = tpu.memref_slice %arg3[%add3A_116] : memref<100000xi32, #tpu.memory_space<hbm>> -> memref<128xi32, #tpu.memory_space<hbm>>
        tpu.enqueue_dma source(%dma_start3A_122 : memref<128xi32, #tpu.memory_space<hbm>>) target(%arg11 : memref<128xi32, #tpu.memory_space<vmem>>) target_semaphore(%arg18 : memref<!tpu.dma_semaphore, #tpu.memory_space<semaphore_mem>>)
      } else {
      }
      %dma_wait3A = arith.constant 0 : i32
      %dma_wait3A_97 = arith.constant 0 : i32
      %dma_wait3A_98 = tpu.memref_slice %arg2[%dma_wait3A, %dma_wait3A_97] : memref<100000x128xf32, #tpu.memory_space<hbm>> -> memref<128x128xf32, #tpu.memory_space<hbm>>
      %dma_wait3A_99 = arith.constant 0 : i32
      %dma_wait3A_100 = arith.constant 0 : i32
      %dma_wait3A_101 = tpu.memref_slice %arg2[%dma_wait3A_99, %dma_wait3A_100] : memref<100000x128xf32, #tpu.memory_space<hbm>> -> memref<128x128xf32, #tpu.memory_space<hbm>>
      tpu.wait_dma2 semaphore(%arg19 : memref<!tpu.dma_semaphore, #tpu.memory_space<semaphore_mem>>) src(%dma_wait3A_101 : memref<128x128xf32, #tpu.memory_space<hbm>>) dst(%arg10 : memref<128x128xf32, #tpu.memory_space<vmem>>)
      %dma_wait3A_102 = arith.constant 0 : i32
      %dma_wait3A_103 = tpu.memref_slice %arg3[%dma_wait3A_102] : memref<100000xi32, #tpu.memory_space<hbm>> -> memref<128xi32, #tpu.memory_space<hbm>>
      %dma_wait3A_104 = arith.constant 0 : i32
      %dma_wait3A_105 = tpu.memref_slice %arg3[%dma_wait3A_104] : memref<100000xi32, #tpu.memory_space<hbm>> -> memref<128xi32, #tpu.memory_space<hbm>>
      tpu.wait_dma2 semaphore(%arg19 : memref<!tpu.dma_semaphore, #tpu.memory_space<semaphore_mem>>) src(%dma_wait3A_105 : memref<128xi32, #tpu.memory_space<hbm>>) dst(%arg12 : memref<128xi32, #tpu.memory_space<vmem>>)
      %dma_start3A = arith.constant 0 : i32
      %dma_start3A_106 = arith.constant 0 : i32
      %dma_start3A_107 = tpu.memref_slice %arg16[%dma_start3A, %dma_start3A_106] : memref<48x128xf32, #tpu.memory_space<vmem_shared>> -> memref<48x128xf32, #tpu.memory_space<vmem_shared>>
      tpu.enqueue_indirect_dma source(%arg10 : memref<128x128xf32, #tpu.memory_space<vmem>>) target(%dma_start3A_107 : memref<48x128xf32, #tpu.memory_space<vmem_shared>>) offsets(%arg12 : memref<128xi32, #tpu.memory_space<vmem>>) semaphore(%arg21 : memref<!tpu.dma_semaphore, #tpu.memory_space<semaphore_mem>>) {add = true}
      %dma_start3A_108 = arith.constant 0 : i32
      %dma_start3A_109 = arith.constant 0 : i32
      %dma_start3A_110 = tpu.memref_slice %arg17[%dma_start3A_108, %dma_start3A_109] : memref<48x128xf32, #tpu.memory_space<vmem_shared>> -> memref<48x128xf32, #tpu.memory_space<vmem_shared>>
      tpu.enqueue_indirect_dma source(%arg15 : memref<128x128xf32, #tpu.memory_space<vmem>>) target(%dma_start3A_110 : memref<48x128xf32, #tpu.memory_space<vmem_shared>>) offsets(%arg12 : memref<128xi32, #tpu.memory_space<vmem>>) semaphore(%arg21 : memref<!tpu.dma_semaphore, #tpu.memory_space<semaphore_mem>>) {add = true}
    } else {
    }
    %add3A_30 = arith.constant 32 : i32
    %add3A_31 = arith.addi %add3A, %add3A_30 : i32
    %lt3A_32 = arith.constant 156 : i32
    %lt3A_33 = arith.cmpi slt, %add3A_31, %lt3A_32 : i32
    %convert_element_type3A_34 = arith.extui %lt3A_33 : i1 to i32
    %cond3A_35 = arith.constant 0 : i32
    %cond3A_36 = arith.cmpi ne, %convert_element_type3A_34, %cond3A_35 : i32
    scf.if %cond3A_36 {
      %dma_wait3A = arith.constant 0 : i32
      %dma_wait3A_90 = arith.constant 0 : i32
      %dma_wait3A_91 = tpu.memref_slice %arg16[%dma_wait3A, %dma_wait3A_90] : memref<48x128xf32, #tpu.memory_space<vmem_shared>> -> memref<48x128xf32, #tpu.memory_space<vmem_shared>>
      tpu.wait_indirect_dma semaphore(%arg21 : memref<!tpu.dma_semaphore, #tpu.memory_space<semaphore_mem>>) src(%arg10 : memref<128x128xf32, #tpu.memory_space<vmem>>) dst(%dma_wait3A_91 : memref<48x128xf32, #tpu.memory_space<vmem_shared>>)
      %dma_wait3A_92 = arith.constant 0 : i32
      %dma_wait3A_93 = arith.constant 0 : i32
      %dma_wait3A_94 = tpu.memref_slice %arg17[%dma_wait3A_92, %dma_wait3A_93] : memref<48x128xf32, #tpu.memory_space<vmem_shared>> -> memref<48x128xf32, #tpu.memory_space<vmem_shared>>
      tpu.wait_indirect_dma semaphore(%arg21 : memref<!tpu.dma_semaphore, #tpu.memory_space<semaphore_mem>>) src(%arg15 : memref<128x128xf32, #tpu.memory_space<vmem>>) dst(%dma_wait3A_94 : memref<48x128xf32, #tpu.memory_space<vmem_shared>>)
    } else {
    }
    %add3A_37 = arith.constant 64 : i32
    %add3A_38 = arith.addi %add3A, %add3A_37 : i32
    %lt3A_39 = arith.constant 156 : i32
    %lt3A_40 = arith.cmpi slt, %add3A_38, %lt3A_39 : i32
    %convert_element_type3A_41 = arith.extui %lt3A_40 : i1 to i32
    %cond3A_42 = arith.constant 0 : i32
    %cond3A_43 = arith.cmpi ne, %convert_element_type3A_41, %cond3A_42 : i32
    scf.if %cond3A_43 {
      %add3A_90 = arith.constant 96 : i32
      %add3A_91 = arith.addi %add3A, %add3A_90 : i32
      %lt3A_92 = arith.constant 156 : i32
      %lt3A_93 = arith.cmpi slt, %add3A_91, %lt3A_92 : i32
      %convert_element_type3A_94 = arith.extui %lt3A_93 : i1 to i32
      %cond3A_95 = arith.constant 0 : i32
      %cond3A_96 = arith.cmpi ne, %convert_element_type3A_94, %cond3A_95 : i32
      scf.if %cond3A_96 {
        %add3A_111 = arith.constant 96 : i32
        %add3A_112 = arith.addi %add3A, %add3A_111 : i32
        %mul3A_113 = arith.constant 128 : i32
        %mul3A_114 = arith.muli %add3A_112, %mul3A_113 : i32
        %add3A_115 = arith.constant 80000 : i32
        %add3A_116 = arith.addi %add3A_115, %mul3A_114 : i32
        %dma_start3A_117 = arith.constant 0 : i32
        %dma_start3A_118 = tpu.memref_slice %arg2[%add3A_116, %dma_start3A_117] : memref<100000x128xf32, #tpu.memory_space<hbm>> -> memref<128x128xf32, #tpu.memory_space<hbm>>
        %dma_start3A_119 = arith.constant 0 : i32
        %dma_start3A_120 = tpu.memref_slice %arg2[%add3A_116, %dma_start3A_119] : memref<100000x128xf32, #tpu.memory_space<hbm>> -> memref<128x128xf32, #tpu.memory_space<hbm>>
        tpu.enqueue_dma source(%dma_start3A_120 : memref<128x128xf32, #tpu.memory_space<hbm>>) target(%arg10 : memref<128x128xf32, #tpu.memory_space<vmem>>) target_semaphore(%arg19 : memref<!tpu.dma_semaphore, #tpu.memory_space<semaphore_mem>>)
        %dma_start3A_121 = tpu.memref_slice %arg3[%add3A_116] : memref<100000xi32, #tpu.memory_space<hbm>> -> memref<128xi32, #tpu.memory_space<hbm>>
        %dma_start3A_122 = tpu.memref_slice %arg3[%add3A_116] : memref<100000xi32, #tpu.memory_space<hbm>> -> memref<128xi32, #tpu.memory_space<hbm>>
        tpu.enqueue_dma source(%dma_start3A_122 : memref<128xi32, #tpu.memory_space<hbm>>) target(%arg12 : memref<128xi32, #tpu.memory_space<vmem>>) target_semaphore(%arg19 : memref<!tpu.dma_semaphore, #tpu.memory_space<semaphore_mem>>)
      } else {
      }
      %dma_wait3A = arith.constant 0 : i32
      %dma_wait3A_97 = arith.constant 0 : i32
      %dma_wait3A_98 = tpu.memref_slice %arg2[%dma_wait3A, %dma_wait3A_97] : memref<100000x128xf32, #tpu.memory_space<hbm>> -> memref<128x128xf32, #tpu.memory_space<hbm>>
      %dma_wait3A_99 = arith.constant 0 : i32
      %dma_wait3A_100 = arith.constant 0 : i32
      %dma_wait3A_101 = tpu.memref_slice %arg2[%dma_wait3A_99, %dma_wait3A_100] : memref<100000x128xf32, #tpu.memory_space<hbm>> -> memref<128x128xf32, #tpu.memory_space<hbm>>
      tpu.wait_dma2 semaphore(%arg18 : memref<!tpu.dma_semaphore, #tpu.memory_space<semaphore_mem>>) src(%dma_wait3A_101 : memref<128x128xf32, #tpu.memory_space<hbm>>) dst(%arg9 : memref<128x128xf32, #tpu.memory_space<vmem>>)
      %dma_wait3A_102 = arith.constant 0 : i32
      %dma_wait3A_103 = tpu.memref_slice %arg3[%dma_wait3A_102] : memref<100000xi32, #tpu.memory_space<hbm>> -> memref<128xi32, #tpu.memory_space<hbm>>
      %dma_wait3A_104 = arith.constant 0 : i32
      %dma_wait3A_105 = tpu.memref_slice %arg3[%dma_wait3A_104] : memref<100000xi32, #tpu.memory_space<hbm>> -> memref<128xi32, #tpu.memory_space<hbm>>
      tpu.wait_dma2 semaphore(%arg18 : memref<!tpu.dma_semaphore, #tpu.memory_space<semaphore_mem>>) src(%dma_wait3A_105 : memref<128xi32, #tpu.memory_space<hbm>>) dst(%arg11 : memref<128xi32, #tpu.memory_space<vmem>>)
      %dma_start3A = arith.constant 0 : i32
      %dma_start3A_106 = arith.constant 0 : i32
      %dma_start3A_107 = tpu.memref_slice %arg16[%dma_start3A, %dma_start3A_106] : memref<48x128xf32, #tpu.memory_space<vmem_shared>> -> memref<48x128xf32, #tpu.memory_space<vmem_shared>>
      tpu.enqueue_indirect_dma source(%arg9 : memref<128x128xf32, #tpu.memory_space<vmem>>) target(%dma_start3A_107 : memref<48x128xf32, #tpu.memory_space<vmem_shared>>) offsets(%arg11 : memref<128xi32, #tpu.memory_space<vmem>>) semaphore(%arg20 : memref<!tpu.dma_semaphore, #tpu.memory_space<semaphore_mem>>) {add = true}
      %dma_start3A_108 = arith.constant 0 : i32
      %dma_start3A_109 = arith.constant 0 : i32
      %dma_start3A_110 = tpu.memref_slice %arg17[%dma_start3A_108, %dma_start3A_109] : memref<48x128xf32, #tpu.memory_space<vmem_shared>> -> memref<48x128xf32, #tpu.memory_space<vmem_shared>>
      tpu.enqueue_indirect_dma source(%arg15 : memref<128x128xf32, #tpu.memory_space<vmem>>) target(%dma_start3A_110 : memref<48x128xf32, #tpu.memory_space<vmem_shared>>) offsets(%arg11 : memref<128xi32, #tpu.memory_space<vmem>>) semaphore(%arg20 : memref<!tpu.dma_semaphore, #tpu.memory_space<semaphore_mem>>) {add = true}
    } else {
    }
    %add3A_44 = arith.constant 64 : i32
    %add3A_45 = arith.addi %add3A, %add3A_44 : i32
    %lt3A_46 = arith.constant 156 : i32
    %lt3A_47 = arith.cmpi slt, %add3A_45, %lt3A_46 : i32
    %convert_element_type3A_48 = arith.extui %lt3A_47 : i1 to i32
    %cond3A_49 = arith.constant 0 : i32
    %cond3A_50 = arith.cmpi ne, %convert_element_type3A_48, %cond3A_49 : i32
    scf.if %cond3A_50 {
      %dma_wait3A = arith.constant 0 : i32
      %dma_wait3A_90 = arith.constant 0 : i32
      %dma_wait3A_91 = tpu.memref_slice %arg16[%dma_wait3A, %dma_wait3A_90] : memref<48x128xf32, #tpu.memory_space<vmem_shared>> -> memref<48x128xf32, #tpu.memory_space<vmem_shared>>
      tpu.wait_indirect_dma semaphore(%arg20 : memref<!tpu.dma_semaphore, #tpu.memory_space<semaphore_mem>>) src(%arg9 : memref<128x128xf32, #tpu.memory_space<vmem>>) dst(%dma_wait3A_91 : memref<48x128xf32, #tpu.memory_space<vmem_shared>>)
      %dma_wait3A_92 = arith.constant 0 : i32
      %dma_wait3A_93 = arith.constant 0 : i32
      %dma_wait3A_94 = tpu.memref_slice %arg17[%dma_wait3A_92, %dma_wait3A_93] : memref<48x128xf32, #tpu.memory_space<vmem_shared>> -> memref<48x128xf32, #tpu.memory_space<vmem_shared>>
      tpu.wait_indirect_dma semaphore(%arg20 : memref<!tpu.dma_semaphore, #tpu.memory_space<semaphore_mem>>) src(%arg15 : memref<128x128xf32, #tpu.memory_space<vmem>>) dst(%dma_wait3A_94 : memref<48x128xf32, #tpu.memory_space<vmem_shared>>)
    } else {
    }
    %add3A_51 = arith.constant 96 : i32
    %add3A_52 = arith.addi %add3A, %add3A_51 : i32
    %lt3A_53 = arith.constant 156 : i32
    %lt3A_54 = arith.cmpi slt, %add3A_52, %lt3A_53 : i32
    %convert_element_type3A_55 = arith.extui %lt3A_54 : i1 to i32
    %cond3A_56 = arith.constant 0 : i32
    %cond3A_57 = arith.cmpi ne, %convert_element_type3A_55, %cond3A_56 : i32
    scf.if %cond3A_57 {
      %add3A_90 = arith.constant 128 : i32
      %add3A_91 = arith.addi %add3A, %add3A_90 : i32
      %lt3A_92 = arith.constant 156 : i32
      %lt3A_93 = arith.cmpi slt, %add3A_91, %lt3A_92 : i32
      %convert_element_type3A_94 = arith.extui %lt3A_93 : i1 to i32
      %cond3A_95 = arith.constant 0 : i32
      %cond3A_96 = arith.cmpi ne, %convert_element_type3A_94, %cond3A_95 : i32
      scf.if %cond3A_96 {
        %add3A_111 = arith.constant 128 : i32
        %add3A_112 = arith.addi %add3A, %add3A_111 : i32
        %mul3A_113 = arith.constant 128 : i32
        %mul3A_114 = arith.muli %add3A_112, %mul3A_113 : i32
        %add3A_115 = arith.constant 80000 : i32
        %add3A_116 = arith.addi %add3A_115, %mul3A_114 : i32
        %dma_start3A_117 = arith.constant 0 : i32
        %dma_start3A_118 = tpu.memref_slice %arg2[%add3A_116, %dma_start3A_117] : memref<100000x128xf32, #tpu.memory_space<hbm>> -> memref<128x128xf32, #tpu.memory_space<hbm>>
        %dma_start3A_119 = arith.constant 0 : i32
        %dma_start3A_120 = tpu.memref_slice %arg2[%add3A_116, %dma_start3A_119] : memref<100000x128xf32, #tpu.memory_space<hbm>> -> memref<128x128xf32, #tpu.memory_space<hbm>>
        tpu.enqueue_dma source(%dma_start3A_120 : memref<128x128xf32, #tpu.memory_space<hbm>>) target(%arg9 : memref<128x128xf32, #tpu.memory_space<vmem>>) target_semaphore(%arg18 : memref<!tpu.dma_semaphore, #tpu.memory_space<semaphore_mem>>)
        %dma_start3A_121 = tpu.memref_slice %arg3[%add3A_116] : memref<100000xi32, #tpu.memory_space<hbm>> -> memref<128xi32, #tpu.memory_space<hbm>>
        %dma_start3A_122 = tpu.memref_slice %arg3[%add3A_116] : memref<100000xi32, #tpu.memory_space<hbm>> -> memref<128xi32, #tpu.memory_space<hbm>>
        tpu.enqueue_dma source(%dma_start3A_122 : memref<128xi32, #tpu.memory_space<hbm>>) target(%arg11 : memref<128xi32, #tpu.memory_space<vmem>>) target_semaphore(%arg18 : memref<!tpu.dma_semaphore, #tpu.memory_space<semaphore_mem>>)
      } else {
      }
      %dma_wait3A = arith.constant 0 : i32
      %dma_wait3A_97 = arith.constant 0 : i32
      %dma_wait3A_98 = tpu.memref_slice %arg2[%dma_wait3A, %dma_wait3A_97] : memref<100000x128xf32, #tpu.memory_space<hbm>> -> memref<128x128xf32, #tpu.memory_space<hbm>>
      %dma_wait3A_99 = arith.constant 0 : i32
      %dma_wait3A_100 = arith.constant 0 : i32
      %dma_wait3A_101 = tpu.memref_slice %arg2[%dma_wait3A_99, %dma_wait3A_100] : memref<100000x128xf32, #tpu.memory_space<hbm>> -> memref<128x128xf32, #tpu.memory_space<hbm>>
      tpu.wait_dma2 semaphore(%arg19 : memref<!tpu.dma_semaphore, #tpu.memory_space<semaphore_mem>>) src(%dma_wait3A_101 : memref<128x128xf32, #tpu.memory_space<hbm>>) dst(%arg10 : memref<128x128xf32, #tpu.memory_space<vmem>>)
      %dma_wait3A_102 = arith.constant 0 : i32
      %dma_wait3A_103 = tpu.memref_slice %arg3[%dma_wait3A_102] : memref<100000xi32, #tpu.memory_space<hbm>> -> memref<128xi32, #tpu.memory_space<hbm>>
      %dma_wait3A_104 = arith.constant 0 : i32
      %dma_wait3A_105 = tpu.memref_slice %arg3[%dma_wait3A_104] : memref<100000xi32, #tpu.memory_space<hbm>> -> memref<128xi32, #tpu.memory_space<hbm>>
      tpu.wait_dma2 semaphore(%arg19 : memref<!tpu.dma_semaphore, #tpu.memory_space<semaphore_mem>>) src(%dma_wait3A_105 : memref<128xi32, #tpu.memory_space<hbm>>) dst(%arg12 : memref<128xi32, #tpu.memory_space<vmem>>)
      %dma_start3A = arith.constant 0 : i32
      %dma_start3A_106 = arith.constant 0 : i32
      %dma_start3A_107 = tpu.memref_slice %arg16[%dma_start3A, %dma_start3A_106] : memref<48x128xf32, #tpu.memory_space<vmem_shared>> -> memref<48x128xf32, #tpu.memory_space<vmem_shared>>
      tpu.enqueue_indirect_dma source(%arg10 : memref<128x128xf32, #tpu.memory_space<vmem>>) target(%dma_start3A_107 : memref<48x128xf32, #tpu.memory_space<vmem_shared>>) offsets(%arg12 : memref<128xi32, #tpu.memory_space<vmem>>) semaphore(%arg21 : memref<!tpu.dma_semaphore, #tpu.memory_space<semaphore_mem>>) {add = true}
      %dma_start3A_108 = arith.constant 0 : i32
      %dma_start3A_109 = arith.constant 0 : i32
      %dma_start3A_110 = tpu.memref_slice %arg17[%dma_start3A_108, %dma_start3A_109] : memref<48x128xf32, #tpu.memory_space<vmem_shared>> -> memref<48x128xf32, #tpu.memory_space<vmem_shared>>
      tpu.enqueue_indirect_dma source(%arg15 : memref<128x128xf32, #tpu.memory_space<vmem>>) target(%dma_start3A_110 : memref<48x128xf32, #tpu.memory_space<vmem_shared>>) offsets(%arg12 : memref<128xi32, #tpu.memory_space<vmem>>) semaphore(%arg21 : memref<!tpu.dma_semaphore, #tpu.memory_space<semaphore_mem>>) {add = true}
    } else {
    }
    %add3A_58 = arith.constant 96 : i32
    %add3A_59 = arith.addi %add3A, %add3A_58 : i32
    %lt3A_60 = arith.constant 156 : i32
    %lt3A_61 = arith.cmpi slt, %add3A_59, %lt3A_60 : i32
    %convert_element_type3A_62 = arith.extui %lt3A_61 : i1 to i32
    %cond3A_63 = arith.constant 0 : i32
    %cond3A_64 = arith.cmpi ne, %convert_element_type3A_62, %cond3A_63 : i32
    scf.if %cond3A_64 {
      %dma_wait3A = arith.constant 0 : i32
      %dma_wait3A_90 = arith.constant 0 : i32
      %dma_wait3A_91 = tpu.memref_slice %arg16[%dma_wait3A, %dma_wait3A_90] : memref<48x128xf32, #tpu.memory_space<vmem_shared>> -> memref<48x128xf32, #tpu.memory_space<vmem_shared>>
      tpu.wait_indirect_dma semaphore(%arg21 : memref<!tpu.dma_semaphore, #tpu.memory_space<semaphore_mem>>) src(%arg10 : memref<128x128xf32, #tpu.memory_space<vmem>>) dst(%dma_wait3A_91 : memref<48x128xf32, #tpu.memory_space<vmem_shared>>)
      %dma_wait3A_92 = arith.constant 0 : i32
      %dma_wait3A_93 = arith.constant 0 : i32
      %dma_wait3A_94 = tpu.memref_slice %arg17[%dma_wait3A_92, %dma_wait3A_93] : memref<48x128xf32, #tpu.memory_space<vmem_shared>> -> memref<48x128xf32, #tpu.memory_space<vmem_shared>>
      tpu.wait_indirect_dma semaphore(%arg21 : memref<!tpu.dma_semaphore, #tpu.memory_space<semaphore_mem>>) src(%arg15 : memref<128x128xf32, #tpu.memory_space<vmem>>) dst(%dma_wait3A_94 : memref<48x128xf32, #tpu.memory_space<vmem_shared>>)
    } else {
    }
    %add3A_65 = arith.constant 128 : i32
    %add3A_66 = arith.addi %add3A, %add3A_65 : i32
    %lt3A_67 = arith.constant 156 : i32
    %lt3A_68 = arith.cmpi slt, %add3A_66, %lt3A_67 : i32
    %convert_element_type3A_69 = arith.extui %lt3A_68 : i1 to i32
    %cond3A_70 = arith.constant 0 : i32
    %cond3A_71 = arith.cmpi ne, %convert_element_type3A_69, %cond3A_70 : i32
    scf.if %cond3A_71 {
      %dma_wait3A = arith.constant 0 : i32
      %dma_wait3A_90 = arith.constant 0 : i32
      %dma_wait3A_91 = tpu.memref_slice %arg2[%dma_wait3A, %dma_wait3A_90] : memref<100000x128xf32, #tpu.memory_space<hbm>> -> memref<128x128xf32, #tpu.memory_space<hbm>>
      %dma_wait3A_92 = arith.constant 0 : i32
      %dma_wait3A_93 = arith.constant 0 : i32
      %dma_wait3A_94 = tpu.memref_slice %arg2[%dma_wait3A_92, %dma_wait3A_93] : memref<100000x128xf32, #tpu.memory_space<hbm>> -> memref<128x128xf32, #tpu.memory_space<hbm>>
      tpu.wait_dma2 semaphore(%arg18 : memref<!tpu.dma_semaphore, #tpu.memory_space<semaphore_mem>>) src(%dma_wait3A_94 : memref<128x128xf32, #tpu.memory_space<hbm>>) dst(%arg9 : memref<128x128xf32, #tpu.memory_space<vmem>>)
      %dma_wait3A_95 = arith.constant 0 : i32
      %dma_wait3A_96 = tpu.memref_slice %arg3[%dma_wait3A_95] : memref<100000xi32, #tpu.memory_space<hbm>> -> memref<128xi32, #tpu.memory_space<hbm>>
      %dma_wait3A_97 = arith.constant 0 : i32
      %dma_wait3A_98 = tpu.memref_slice %arg3[%dma_wait3A_97] : memref<100000xi32, #tpu.memory_space<hbm>> -> memref<128xi32, #tpu.memory_space<hbm>>
      tpu.wait_dma2 semaphore(%arg18 : memref<!tpu.dma_semaphore, #tpu.memory_space<semaphore_mem>>) src(%dma_wait3A_98 : memref<128xi32, #tpu.memory_space<hbm>>) dst(%arg11 : memref<128xi32, #tpu.memory_space<vmem>>)
      %dma_start3A = arith.constant 0 : i32
      %dma_start3A_99 = arith.constant 0 : i32
      %dma_start3A_100 = tpu.memref_slice %arg16[%dma_start3A, %dma_start3A_99] : memref<48x128xf32, #tpu.memory_space<vmem_shared>> -> memref<48x128xf32, #tpu.memory_space<vmem_shared>>
      tpu.enqueue_indirect_dma source(%arg9 : memref<128x128xf32, #tpu.memory_space<vmem>>) target(%dma_start3A_100 : memref<48x128xf32, #tpu.memory_space<vmem_shared>>) offsets(%arg11 : memref<128xi32, #tpu.memory_space<vmem>>) semaphore(%arg20 : memref<!tpu.dma_semaphore, #tpu.memory_space<semaphore_mem>>) {add = true}
      %dma_start3A_101 = arith.constant 0 : i32
      %dma_start3A_102 = arith.constant 0 : i32
      %dma_start3A_103 = tpu.memref_slice %arg17[%dma_start3A_101, %dma_start3A_102] : memref<48x128xf32, #tpu.memory_space<vmem_shared>> -> memref<48x128xf32, #tpu.memory_space<vmem_shared>>
      tpu.enqueue_indirect_dma source(%arg15 : memref<128x128xf32, #tpu.memory_space<vmem>>) target(%dma_start3A_103 : memref<48x128xf32, #tpu.memory_space<vmem_shared>>) offsets(%arg11 : memref<128xi32, #tpu.memory_space<vmem>>) semaphore(%arg20 : memref<!tpu.dma_semaphore, #tpu.memory_space<semaphore_mem>>) {add = true}
    } else {
    }
    %add3A_72 = arith.constant 128 : i32
    %add3A_73 = arith.addi %add3A, %add3A_72 : i32
    %lt3A_74 = arith.constant 156 : i32
    %lt3A_75 = arith.cmpi slt, %add3A_73, %lt3A_74 : i32
    %convert_element_type3A_76 = arith.extui %lt3A_75 : i1 to i32
    %cond3A_77 = arith.constant 0 : i32
    %cond3A_78 = arith.cmpi ne, %convert_element_type3A_76, %cond3A_77 : i32
    scf.if %cond3A_78 {
      %dma_wait3A = arith.constant 0 : i32
      %dma_wait3A_90 = arith.constant 0 : i32
      %dma_wait3A_91 = tpu.memref_slice %arg16[%dma_wait3A, %dma_wait3A_90] : memref<48x128xf32, #tpu.memory_space<vmem_shared>> -> memref<48x128xf32, #tpu.memory_space<vmem_shared>>
      tpu.wait_indirect_dma semaphore(%arg20 : memref<!tpu.dma_semaphore, #tpu.memory_space<semaphore_mem>>) src(%arg9 : memref<128x128xf32, #tpu.memory_space<vmem>>) dst(%dma_wait3A_91 : memref<48x128xf32, #tpu.memory_space<vmem_shared>>)
      %dma_wait3A_92 = arith.constant 0 : i32
      %dma_wait3A_93 = arith.constant 0 : i32
      %dma_wait3A_94 = tpu.memref_slice %arg17[%dma_wait3A_92, %dma_wait3A_93] : memref<48x128xf32, #tpu.memory_space<vmem_shared>> -> memref<48x128xf32, #tpu.memory_space<vmem_shared>>
      tpu.wait_indirect_dma semaphore(%arg20 : memref<!tpu.dma_semaphore, #tpu.memory_space<semaphore_mem>>) src(%arg15 : memref<128x128xf32, #tpu.memory_space<vmem>>) dst(%dma_wait3A_94 : memref<48x128xf32, #tpu.memory_space<vmem_shared>>)
    } else {
    }
    %eq3A_79 = arith.constant 31 : i32
    %eq3A_80 = arith.cmpi eq, %add3A, %eq3A_79 : i32
    %convert_element_type3A_81 = arith.extui %eq3A_80 : i1 to i32
    %cond3A_82 = arith.constant 0 : i32
    %cond3A_83 = arith.cmpi ne, %convert_element_type3A_81, %cond3A_82 : i32
    scf.if %cond3A_83 {
      "tpu.region"() ({
        %run_scoped3A = tpu.sem_alloc : memref<!tpu.dma_semaphore, #tpu.memory_space<semaphore_mem>>
        %dma_start3A_106 = arith.constant 99968 : i32
        %dma_start3A_107 = arith.constant 0 : i32
        %dma_start3A_108 = tpu.memref_slice %arg2[%dma_start3A_106, %dma_start3A_107] : memref<100000x128xf32, #tpu.memory_space<hbm>> -> memref<32x128xf32, #tpu.memory_space<hbm>>
        %dma_start3A_109 = arith.constant 99968 : i32
        %dma_start3A_110 = arith.constant 0 : i32
        %dma_start3A_111 = tpu.memref_slice %arg2[%dma_start3A_109, %dma_start3A_110] : memref<100000x128xf32, #tpu.memory_space<hbm>> -> memref<32x128xf32, #tpu.memory_space<hbm>>
        tpu.enqueue_dma source(%dma_start3A_111 : memref<32x128xf32, #tpu.memory_space<hbm>>) target(%arg13 : memref<32x128xf32, #tpu.memory_space<vmem>>) target_semaphore(%run_scoped3A : memref<!tpu.dma_semaphore, #tpu.memory_space<semaphore_mem>>)
        %dma_wait3A_112 = arith.constant 99968 : i32
        %dma_wait3A_113 = arith.constant 0 : i32
        %dma_wait3A_114 = tpu.memref_slice %arg2[%dma_wait3A_112, %dma_wait3A_113] : memref<100000x128xf32, #tpu.memory_space<hbm>> -> memref<32x128xf32, #tpu.memory_space<hbm>>
        %dma_wait3A_115 = arith.constant 99968 : i32
        %dma_wait3A_116 = arith.constant 0 : i32
        %dma_wait3A_117 = tpu.memref_slice %arg2[%dma_wait3A_115, %dma_wait3A_116] : memref<100000x128xf32, #tpu.memory_space<hbm>> -> memref<32x128xf32, #tpu.memory_space<hbm>>
        tpu.wait_dma2 semaphore(%run_scoped3A : memref<!tpu.dma_semaphore, #tpu.memory_space<semaphore_mem>>) src(%dma_wait3A_117 : memref<32x128xf32, #tpu.memory_space<hbm>>) dst(%arg13 : memref<32x128xf32, #tpu.memory_space<vmem>>)
        tpu.yield
      }) : () -> ()
      "tpu.region"() ({
        %run_scoped3A = tpu.sem_alloc : memref<!tpu.dma_semaphore, #tpu.memory_space<semaphore_mem>>
        %dma_start3A_106 = arith.constant 99968 : i32
        %dma_start3A_107 = tpu.memref_slice %arg3[%dma_start3A_106] : memref<100000xi32, #tpu.memory_space<hbm>> -> memref<32xi32, #tpu.memory_space<hbm>>
        %dma_start3A_108 = arith.constant 99968 : i32
        %dma_start3A_109 = tpu.memref_slice %arg3[%dma_start3A_108] : memref<100000xi32, #tpu.memory_space<hbm>> -> memref<32xi32, #tpu.memory_space<hbm>>
        tpu.enqueue_dma source(%dma_start3A_109 : memref<32xi32, #tpu.memory_space<hbm>>) target(%arg14 : memref<32xi32, #tpu.memory_space<vmem>>) target_semaphore(%run_scoped3A : memref<!tpu.dma_semaphore, #tpu.memory_space<semaphore_mem>>)
        %dma_wait3A_110 = arith.constant 99968 : i32
        %dma_wait3A_111 = tpu.memref_slice %arg3[%dma_wait3A_110] : memref<100000xi32, #tpu.memory_space<hbm>> -> memref<32xi32, #tpu.memory_space<hbm>>
        %dma_wait3A_112 = arith.constant 99968 : i32
        %dma_wait3A_113 = tpu.memref_slice %arg3[%dma_wait3A_112] : memref<100000xi32, #tpu.memory_space<hbm>> -> memref<32xi32, #tpu.memory_space<hbm>>
        tpu.wait_dma2 semaphore(%run_scoped3A : memref<!tpu.dma_semaphore, #tpu.memory_space<semaphore_mem>>) src(%dma_wait3A_113 : memref<32xi32, #tpu.memory_space<hbm>>) dst(%arg14 : memref<32xi32, #tpu.memory_space<vmem>>)
        tpu.yield
      }) : () -> ()
      %dma_start3A = arith.constant 0 : i32
      %dma_start3A_90 = arith.constant 0 : i32
      %dma_start3A_91 = tpu.memref_slice %arg16[%dma_start3A, %dma_start3A_90] : memref<48x128xf32, #tpu.memory_space<vmem_shared>> -> memref<48x128xf32, #tpu.memory_space<vmem_shared>>
      tpu.enqueue_indirect_dma source(%arg13 : memref<32x128xf32, #tpu.memory_space<vmem>>) target(%dma_start3A_91 : memref<48x128xf32, #tpu.memory_space<vmem_shared>>) offsets(%arg14 : memref<32xi32, #tpu.memory_space<vmem>>) semaphore(%arg20 : memref<!tpu.dma_semaphore, #tpu.memory_space<semaphore_mem>>) {add = true}
      %dma_wait3A = arith.constant 0 : i32
      %dma_wait3A_92 = arith.constant 0 : i32
      %dma_wait3A_93 = tpu.memref_slice %arg16[%dma_wait3A, %dma_wait3A_92] : memref<48x128xf32, #tpu.memory_space<vmem_shared>> -> memref<48x128xf32, #tpu.memory_space<vmem_shared>>
      tpu.wait_indirect_dma semaphore(%arg20 : memref<!tpu.dma_semaphore, #tpu.memory_space<semaphore_mem>>) src(%arg13 : memref<32x128xf32, #tpu.memory_space<vmem>>) dst(%dma_wait3A_93 : memref<48x128xf32, #tpu.memory_space<vmem_shared>>)
      %dma_start3A_94 = arith.constant 0 : i32
      %dma_start3A_95 = arith.constant 0 : i32
      %dma_start3A_96 = tpu.memref_slice %arg15[%dma_start3A_94, %dma_start3A_95] : memref<128x128xf32, #tpu.memory_space<vmem>> -> memref<32x128xf32, #tpu.memory_space<vmem>>
      %dma_start3A_97 = arith.constant 0 : i32
      %dma_start3A_98 = arith.constant 0 : i32
      %dma_start3A_99 = tpu.memref_slice %arg17[%dma_start3A_97, %dma_start3A_98] : memref<48x128xf32, #tpu.memory_space<vmem_shared>> -> memref<48x128xf32, #tpu.memory_space<vmem_shared>>
      tpu.enqueue_indirect_dma source(%dma_start3A_96 : memref<32x128xf32, #tpu.memory_space<vmem>>) target(%dma_start3A_99 : memref<48x128xf32, #tpu.memory_space<vmem_shared>>) offsets(%arg14 : memref<32xi32, #tpu.memory_space<vmem>>) semaphore(%arg21 : memref<!tpu.dma_semaphore, #tpu.memory_space<semaphore_mem>>) {add = true}
      %dma_wait3A_100 = arith.constant 0 : i32
      %dma_wait3A_101 = arith.constant 0 : i32
      %dma_wait3A_102 = tpu.memref_slice %arg15[%dma_wait3A_100, %dma_wait3A_101] : memref<128x128xf32, #tpu.memory_space<vmem>> -> memref<32x128xf32, #tpu.memory_space<vmem>>
      %dma_wait3A_103 = arith.constant 0 : i32
      %dma_wait3A_104 = arith.constant 0 : i32
      %dma_wait3A_105 = tpu.memref_slice %arg17[%dma_wait3A_103, %dma_wait3A_104] : memref<48x128xf32, #tpu.memory_space<vmem_shared>> -> memref<48x128xf32, #tpu.memory_space<vmem_shared>>
      tpu.wait_indirect_dma semaphore(%arg21 : memref<!tpu.dma_semaphore, #tpu.memory_space<semaphore_mem>>) src(%dma_wait3A_102 : memref<32x128xf32, #tpu.memory_space<vmem>>) dst(%dma_wait3A_105 : memref<48x128xf32, #tpu.memory_space<vmem_shared>>)
    } else {
    }
    %barrier3A_84 = arith.constant 0 : index
    tpu.barrier barrier_id(%barrier3A_84)
    %eq3A_85 = arith.constant 0 : i32
    %eq3A_86 = arith.cmpi eq, %arg1, %eq3A_85 : i32
    %convert_element_type3A_87 = arith.extui %eq3A_86 : i1 to i32
    %cond3A_88 = arith.constant 0 : i32
    %cond3A_89 = arith.cmpi ne, %convert_element_type3A_87, %cond3A_88 : i32
    scf.if %cond3A_89 {
      "tpu.region"() ({
        %run_scoped3A = tpu.sem_alloc : memref<!tpu.dma_semaphore, #tpu.memory_space<semaphore_mem>>
        %dma_start3A = arith.constant 0 : i32
        %dma_start3A_90 = arith.constant 0 : i32
        %dma_start3A_91 = tpu.memref_slice %arg7[%arg0, %dma_start3A, %dma_start3A_90] : memref<2x48x128xf32, #tpu.memory_space<hbm>> -> memref<1x48x128xf32, #tpu.memory_space<hbm>>
        %dma_start3A_92 = tpu.memref_squeeze %dma_start3A_91 : memref<1x48x128xf32, #tpu.memory_space<hbm>> -> memref<48x128xf32, #tpu.memory_space<hbm>>
        tpu.enqueue_dma source(%arg16 : memref<48x128xf32, #tpu.memory_space<vmem_shared>>) target(%dma_start3A_92 : memref<48x128xf32, #tpu.memory_space<hbm>>) target_semaphore(%run_scoped3A : memref<!tpu.dma_semaphore, #tpu.memory_space<semaphore_mem>>)
        %dma_wait3A = arith.constant 0 : i32
        %dma_wait3A_93 = arith.constant 0 : i32
        %dma_wait3A_94 = tpu.memref_slice %arg7[%arg0, %dma_wait3A, %dma_wait3A_93] : memref<2x48x128xf32, #tpu.memory_space<hbm>> -> memref<1x48x128xf32, #tpu.memory_space<hbm>>
        %dma_wait3A_95 = tpu.memref_squeeze %dma_wait3A_94 : memref<1x48x128xf32, #tpu.memory_space<hbm>> -> memref<48x128xf32, #tpu.memory_space<hbm>>
        tpu.wait_dma2 semaphore(%run_scoped3A : memref<!tpu.dma_semaphore, #tpu.memory_space<semaphore_mem>>) src(%arg16 : memref<48x128xf32, #tpu.memory_space<vmem_shared>>) dst(%dma_wait3A_95 : memref<48x128xf32, #tpu.memory_space<hbm>>)
        tpu.yield
      }) : () -> ()
      "tpu.region"() ({
        %run_scoped3A = tpu.sem_alloc : memref<!tpu.dma_semaphore, #tpu.memory_space<semaphore_mem>>
        %dma_start3A = arith.constant 0 : i32
        %dma_start3A_90 = arith.constant 0 : i32
        %dma_start3A_91 = tpu.memref_slice %arg8[%arg0, %dma_start3A, %dma_start3A_90] : memref<2x48x128xf32, #tpu.memory_space<hbm>> -> memref<1x48x128xf32, #tpu.memory_space<hbm>>
        %dma_start3A_92 = tpu.memref_squeeze %dma_start3A_91 : memref<1x48x128xf32, #tpu.memory_space<hbm>> -> memref<48x128xf32, #tpu.memory_space<hbm>>
        tpu.enqueue_dma source(%arg17 : memref<48x128xf32, #tpu.memory_space<vmem_shared>>) target(%dma_start3A_92 : memref<48x128xf32, #tpu.memory_space<hbm>>) target_semaphore(%run_scoped3A : memref<!tpu.dma_semaphore, #tpu.memory_space<semaphore_mem>>)
        %dma_wait3A = arith.constant 0 : i32
        %dma_wait3A_93 = arith.constant 0 : i32
        %dma_wait3A_94 = tpu.memref_slice %arg8[%arg0, %dma_wait3A, %dma_wait3A_93] : memref<2x48x128xf32, #tpu.memory_space<hbm>> -> memref<1x48x128xf32, #tpu.memory_space<hbm>>
        %dma_wait3A_95 = tpu.memref_squeeze %dma_wait3A_94 : memref<1x48x128xf32, #tpu.memory_space<hbm>> -> memref<48x128xf32, #tpu.memory_space<hbm>>
        tpu.wait_dma2 semaphore(%run_scoped3A : memref<!tpu.dma_semaphore, #tpu.memory_space<semaphore_mem>>) src(%arg17 : memref<48x128xf32, #tpu.memory_space<vmem_shared>>) dst(%dma_wait3A_95 : memref<48x128xf32, #tpu.memory_space<hbm>>)
        tpu.yield
      }) : () -> ()
    } else {
    }
    return
  }
}

module attributes {stable_mosaic.version = 14 : i64} {
  func.func @_tc_body(%arg0: i32, %arg1: memref<1x1x10000xi32, #tpu.memory_space<vmem>>, %arg2: memref<10000x128xf32, #tpu.memory_space<vmem>>, %arg3: memref<2x48x128xf32, #tpu.memory_space<vmem>>, %arg4: memref<2x48x128xf32, #tpu.memory_space<vmem>>, %arg5: memref<48x128xf32, #tpu.memory_space<vmem>>, %arg6: memref<48x1xf32, #tpu.memory_space<vmem>>, %arg7: memref<1x1xf32, #tpu.memory_space<vmem>>, %arg8: memref<48x128xf32, #tpu.memory_space<vmem>>, %arg9: memref<48x1xf32, #tpu.memory_space<vmem>>, %arg10: memref<48x1xf32, #tpu.memory_space<vmem>>, %arg11: memref<48x1xf32, #tpu.memory_space<vmem>>, %arg12: memref<48x1xf32, #tpu.memory_space<vmem>>) attributes {dimension_semantics = [#tpu.dimension_semantics<arbitrary>], iteration_bounds = array<i64: 10>, scalar_prefetch = 0 : i64, scratch_operands = 5 : i64, tpu.core_type = #tpu.core_type<tc>, window_params = [{transform_indices = @transform_0, window_bounds = array<i64: 1, 1, 10000>}, {transform_indices = @transform_1, window_bounds = array<i64: 10000, 128>}, {pipeline_mode = #tpu.pipeline_mode<synchronous>, transform_indices = @transform_2, window_bounds = array<i64: 2, 48, 128>}, {pipeline_mode = #tpu.pipeline_mode<synchronous>, transform_indices = @transform_3, window_bounds = array<i64: 2, 48, 128>}, {pipeline_mode = #tpu.pipeline_mode<synchronous>, transform_indices = @transform_4, window_bounds = array<i64: 48, 128>}, {pipeline_mode = #tpu.pipeline_mode<synchronous>, transform_indices = @transform_5, window_bounds = array<i64: 48, 1>}, {pipeline_mode = #tpu.pipeline_mode<synchronous>, transform_indices = @transform_6, window_bounds = array<i64: 1, 1>}]} {
    %eq3A = arith.constant 0 : i32
    %eq3A_0 = arith.cmpi eq, %arg0, %eq3A : i32
    %convert_element_type3A = arith.extui %eq3A_0 : i1 to i32
    %cond3A = arith.constant 0 : i32
    %cond3A_1 = arith.cmpi ne, %convert_element_type3A, %cond3A : i32
    scf.if %cond3A_1 {
      %get3A_58 = arith.constant 0 : index
      %get3A_59 = arith.constant 0 : index
      %get3A_60 = arith.constant 0 : index
      %get3A_61 = vector.load %arg3[%get3A_58, %get3A_59, %get3A_60] : memref<2x48x128xf32, #tpu.memory_space<vmem>>, vector<1x48x128xf32>
      %get3A_62 = vector.shape_cast %get3A_61 : vector<1x48x128xf32> to vector<48x128xf32>
      %get3A_63 = arith.constant 1 : index
      %get3A_64 = arith.constant 0 : index
      %get3A_65 = arith.constant 0 : index
      %get3A_66 = vector.load %arg3[%get3A_63, %get3A_64, %get3A_65] : memref<2x48x128xf32, #tpu.memory_space<vmem>>, vector<1x48x128xf32>
      %get3A_67 = vector.shape_cast %get3A_66 : vector<1x48x128xf32> to vector<48x128xf32>
      %add3A_68 = arith.addf %get3A_62, %get3A_67 : vector<48x128xf32>
      %get3A_69 = arith.constant 0 : index
      %get3A_70 = arith.constant 0 : index
      %get3A_71 = vector.load %arg5[%get3A_69, %get3A_70] : memref<48x128xf32, #tpu.memory_space<vmem>>, vector<48x128xf32>
      %add3A_72 = arith.addf %add3A_68, %get3A_71 : vector<48x128xf32>
      %get3A_73 = arith.constant 0 : index
      %get3A_74 = arith.constant 0 : index
      %get3A_75 = arith.constant 0 : index
      %get3A_76 = vector.load %arg4[%get3A_73, %get3A_74, %get3A_75] : memref<2x48x128xf32, #tpu.memory_space<vmem>>, vector<1x48x1xf32>
      %get3A_77 = vector.shape_cast %get3A_76 : vector<1x48x1xf32> to vector<48x1xf32>
      %get3A_78 = arith.constant 1 : index
      %get3A_79 = arith.constant 0 : index
      %get3A_80 = arith.constant 0 : index
      %get3A_81 = vector.load %arg4[%get3A_78, %get3A_79, %get3A_80] : memref<2x48x128xf32, #tpu.memory_space<vmem>>, vector<1x48x1xf32>
      %get3A_82 = vector.shape_cast %get3A_81 : vector<1x48x1xf32> to vector<48x1xf32>
      %add3A_83 = arith.addf %get3A_77, %get3A_82 : vector<48x1xf32>
      %get3A_84 = arith.constant 0 : index
      %get3A_85 = arith.constant 0 : index
      %get3A_86 = vector.load %arg6[%get3A_84, %get3A_85] : memref<48x1xf32, #tpu.memory_space<vmem>>, vector<48x1xf32>
      %add3A_87 = arith.addf %add3A_83, %get3A_86 : vector<48x1xf32>
      %swap3A_88 = arith.constant 0 : index
      %swap3A_89 = arith.constant 0 : index
      %swap3A_90 = vector.load %arg11[%swap3A_88, %swap3A_89] : memref<48x1xf32, #tpu.memory_space<vmem>>, vector<48x1xf32>
      tpu.vector_store %arg11[%swap3A_88, %swap3A_89], %add3A_87 {strides = array<i32>} : memref<48x1xf32, #tpu.memory_space<vmem>>, vector<48x1xf32>,
      %max3A_91 = arith.constant 1.000000e+00 : f32
      %max3A_92 = vector.broadcast %max3A_91 : f32 to vector<48x1xf32>
      %max3A_93 = arith.maximumf %add3A_87, %max3A_92 : vector<48x1xf32>
      %div3A = vector.broadcast %max3A_93 : vector<48x1xf32> to vector<48x128xf32>
      %div3A_94 = arith.divf %add3A_72, %div3A : vector<48x128xf32>
      %swap3A_95 = arith.constant 0 : index
      %swap3A_96 = arith.constant 0 : index
      %swap3A_97 = vector.load %arg8[%swap3A_95, %swap3A_96] : memref<48x128xf32, #tpu.memory_space<vmem>>, vector<48x128xf32>
      tpu.vector_store %arg8[%swap3A_95, %swap3A_96], %div3A_94 {strides = array<i32>} : memref<48x128xf32, #tpu.memory_space<vmem>>, vector<48x128xf32>,
      %mul3A_98 = arith.mulf %div3A_94, %div3A_94 : vector<48x128xf32>
      %reduce_sum3A_99 = arith.constant dense<0.000000e+00> : vector<48xf32>
      %reduce_sum3A_100 = vector.multi_reduction <add>, %mul3A_98, %reduce_sum3A_99 [1] : vector<48x128xf32> to vector<48xf32>
      %broadcast_in_dim3A_101 = vector.shape_cast %reduce_sum3A_100 : vector<48xf32> to vector<48x1xf32>
      %swap3A_102 = arith.constant 0 : index
      %swap3A_103 = arith.constant 0 : index
      %swap3A_104 = vector.load %arg10[%swap3A_102, %swap3A_103] : memref<48x1xf32, #tpu.memory_space<vmem>>, vector<48x1xf32>
      tpu.vector_store %arg10[%swap3A_102, %swap3A_103], %broadcast_in_dim3A_101 {strides = array<i32>} : memref<48x1xf32, #tpu.memory_space<vmem>>, vector<48x1xf32>,
      %mul3A_105 = arith.constant 5.000000e-01 : f32
      %mul3A_106 = vector.broadcast %mul3A_105 : f32 to vector<48x1xf32>
      %mul3A_107 = arith.mulf %mul3A_106, %broadcast_in_dim3A_101 : vector<48x1xf32>
      %swap3A_108 = arith.constant 0 : index
      %swap3A_109 = arith.constant 0 : index
      %swap3A_110 = vector.load %arg9[%swap3A_108, %swap3A_109] : memref<48x1xf32, #tpu.memory_space<vmem>>, vector<48x1xf32>
      tpu.vector_store %arg9[%swap3A_108, %swap3A_109], %mul3A_107 {strides = array<i32>} : memref<48x1xf32, #tpu.memory_space<vmem>>, vector<48x1xf32>,
      %broadcast_in_dim3A_111 = arith.constant 0.000000e+00 : f32
      %broadcast_in_dim3A_112 = vector.broadcast %broadcast_in_dim3A_111 : f32 to vector<48x1xf32>
      %swap3A_113 = arith.constant 0 : index
      %swap3A_114 = arith.constant 0 : index
      %swap3A_115 = vector.load %arg12[%swap3A_113, %swap3A_114] : memref<48x1xf32, #tpu.memory_space<vmem>>, vector<48x1xf32>
      tpu.vector_store %arg12[%swap3A_113, %swap3A_114], %broadcast_in_dim3A_112 {strides = array<i32>} : memref<48x1xf32, #tpu.memory_space<vmem>>, vector<48x1xf32>,
    } else {
    }
    %get3A = arith.constant 0 : index
    %get3A_2 = arith.constant 0 : index
    %get3A_3 = arith.constant 0 : index
    %get3A_4 = vector.load %arg1[%get3A, %get3A_2, %get3A_3] : memref<1x1x10000xi32, #tpu.memory_space<vmem>>, vector<1x1x10000xi32>
    %get3A_5 = vector.shape_cast %get3A_4 : vector<1x1x10000xi32> to vector<1x10000xi32>
    %iota3A = tpu.iota {dimensions = array<i32: 0>} : vector<48x1xi32>
    %eq3A_6 = vector.broadcast %iota3A : vector<48x1xi32> to vector<48x10000xi32>
    %eq3A_7 = vector.broadcast %get3A_5 : vector<1x10000xi32> to vector<48x10000xi32>
    %eq3A_8 = arith.cmpi eq, %eq3A_6, %eq3A_7 : vector<48x10000xi32>
    %convert_element_type3A_9 = arith.extui %eq3A_8 : vector<48x10000xi1> to vector<48x10000xi32>
    %convert_element_type3A_10 = arith.sitofp %convert_element_type3A_9 : vector<48x10000xi32> to vector<48x10000xf32>
    %get3A_11 = arith.constant 0 : index
    %get3A_12 = arith.constant 0 : index
    %get3A_13 = vector.load %arg2[%get3A_11, %get3A_12] : memref<10000x128xf32, #tpu.memory_space<vmem>>, vector<10000x128xf32>
    %get3A_14 = arith.constant 0 : index
    %get3A_15 = arith.constant 0 : index
    %get3A_16 = vector.load %arg8[%get3A_14, %get3A_15] : memref<48x128xf32, #tpu.memory_space<vmem>>, vector<48x128xf32>
    %dot_general3A = arith.constant dense<0.000000e+00> : vector<48x10000xf32>
    %dot_general3A_17 = tpu.matmul %get3A_16, %get3A_13, %dot_general3A {dimension_numbers = #tpu.dot_dimension_numbers<[1], [1], [0], [0], [0, 0, 1, 0], [], []>, transpose_lhs_hint = false} : vector<48x128xf32>, vector<10000x128xf32>, vector<48x10000xf32> -> vector<48x10000xf32>
    %broadcast_in_dim3A = arith.constant 1.000000e+00 : f32
    %broadcast_in_dim3A_18 = vector.broadcast %broadcast_in_dim3A : f32 to vector<1x128xf32>
    %mul3A = arith.mulf %get3A_13, %get3A_13 : vector<10000x128xf32>
    %dot_general3A_19 = arith.constant dense<0.000000e+00> : vector<1x10000xf32>
    %dot_general3A_20 = tpu.matmul %broadcast_in_dim3A_18, %mul3A, %dot_general3A_19 {dimension_numbers = #tpu.dot_dimension_numbers<[1], [1], [0], [0], [0, 0, 1, 0], [], []>, transpose_lhs_hint = false} : vector<1x128xf32>, vector<10000x128xf32>, vector<1x10000xf32> -> vector<1x10000xf32>
    %get3A_21 = arith.constant 0 : index
    %get3A_22 = arith.constant 0 : index
    %get3A_23 = vector.load %arg9[%get3A_21, %get3A_22] : memref<48x1xf32, #tpu.memory_space<vmem>>, vector<48x1xf32>
    %sub3A = vector.broadcast %get3A_23 : vector<48x1xf32> to vector<48x10000xf32>
    %sub3A_24 = arith.subf %dot_general3A_17, %sub3A : vector<48x10000xf32>
    %mul3A_25 = arith.mulf %sub3A_24, %convert_element_type3A_10 : vector<48x10000xf32>
    %reduce_sum3A = arith.constant dense<0.000000e+00> : vector<10000xf32>
    %reduce_sum3A_26 = vector.multi_reduction <add>, %mul3A_25, %reduce_sum3A [0] : vector<48x10000xf32> to vector<10000xf32>
    %broadcast_in_dim3A_27 = vector.shape_cast %reduce_sum3A_26 : vector<10000xf32> to vector<1x10000xf32>
    %mul3A_28 = arith.constant 2.000000e+00 : f32
    %mul3A_29 = vector.broadcast %mul3A_28 : f32 to vector<1x10000xf32>
    %mul3A_30 = arith.mulf %mul3A_29, %broadcast_in_dim3A_27 : vector<1x10000xf32>
    %sub3A_31 = arith.subf %dot_general3A_20, %mul3A_30 : vector<1x10000xf32>
    %max3A = arith.constant 0.000000e+00 : f32
    %max3A_32 = vector.broadcast %max3A : f32 to vector<1x10000xf32>
    %max3A_33 = arith.maximumf %sub3A_31, %max3A_32 : vector<1x10000xf32>
    %add3A = arith.constant 9.99999996E-13 : f32
    %add3A_34 = vector.broadcast %add3A : f32 to vector<1x10000xf32>
    %add3A_35 = arith.addf %max3A_33, %add3A_34 : vector<1x10000xf32>
    %sqrt3A = math.sqrt %add3A_35 : vector<1x10000xf32>
    %sub3A_36 = arith.constant 5.000000e-01 : f32
    %sub3A_37 = vector.broadcast %sub3A_36 : f32 to vector<1x10000xf32>
    %sub3A_38 = arith.subf %sqrt3A, %sub3A_37 : vector<1x10000xf32>
    %max3A_39 = arith.constant 0.000000e+00 : f32
    %max3A_40 = vector.broadcast %max3A_39 : f32 to vector<1x10000xf32>
    %max3A_41 = arith.maximumf %sub3A_38, %max3A_40 : vector<1x10000xf32>
    %square3A = arith.mulf %max3A_41, %max3A_41 : vector<1x10000xf32>
    %get3A_42 = arith.constant 0 : index
    %get3A_43 = arith.constant 0 : index
    %get3A_44 = vector.load %arg12[%get3A_42, %get3A_43] : memref<48x1xf32, #tpu.memory_space<vmem>>, vector<48x1xf32>
    %mul3A_45 = vector.broadcast %square3A : vector<1x10000xf32> to vector<48x10000xf32>
    %mul3A_46 = arith.mulf %convert_element_type3A_10, %mul3A_45 : vector<48x10000xf32>
    %reduce_sum3A_47 = arith.constant dense<0.000000e+00> : vector<48xf32>
    %reduce_sum3A_48 = vector.multi_reduction <add>, %mul3A_46, %reduce_sum3A_47 [1] : vector<48x10000xf32> to vector<48xf32>
    %broadcast_in_dim3A_49 = vector.shape_cast %reduce_sum3A_48 : vector<48xf32> to vector<48x1xf32>
    %add3A_50 = arith.addf %get3A_44, %broadcast_in_dim3A_49 : vector<48x1xf32>
    %swap3A = arith.constant 0 : index
    %swap3A_51 = arith.constant 0 : index
    %swap3A_52 = vector.load %arg12[%swap3A, %swap3A_51] : memref<48x1xf32, #tpu.memory_space<vmem>>, vector<48x1xf32>
    tpu.vector_store %arg12[%swap3A, %swap3A_51], %add3A_50 {strides = array<i32>} : memref<48x1xf32, #tpu.memory_space<vmem>>, vector<48x1xf32>,
    %eq3A_53 = arith.constant 9 : i32
    %eq3A_54 = arith.cmpi eq, %arg0, %eq3A_53 : i32
    %convert_element_type3A_55 = arith.extui %eq3A_54 : i1 to i32
    %cond3A_56 = arith.constant 0 : i32
    %cond3A_57 = arith.cmpi ne, %convert_element_type3A_55, %cond3A_56 : i32
    scf.if %cond3A_57 {
      %get3A_58 = arith.constant 0 : index
      %get3A_59 = arith.constant 0 : index
      %get3A_60 = vector.load %arg11[%get3A_58, %get3A_59] : memref<48x1xf32, #tpu.memory_space<vmem>>, vector<48x1xf32>
      %max3A_61 = arith.constant 1.000000e+00 : f32
      %max3A_62 = vector.broadcast %max3A_61 : f32 to vector<48x1xf32>
      %max3A_63 = arith.maximumf %get3A_60, %max3A_62 : vector<48x1xf32>
      %iota3A_64 = tpu.iota {dimensions = array<i32: 0>} : vector<48x1xi32>
      %gt3A = arith.constant 0.000000e+00 : f32
      %gt3A_65 = vector.broadcast %gt3A : f32 to vector<48x1xf32>
      %gt3A_66 = arith.cmpf ogt, %get3A_60, %gt3A_65 : vector<48x1xf32>
      %gt3A_67 = arith.constant 0 : i32
      %gt3A_68 = vector.broadcast %gt3A_67 : i32 to vector<48x1xi32>
      %gt3A_69 = arith.cmpi sgt, %iota3A_64, %gt3A_68 : vector<48x1xi32>
      %and3A = arith.andi %gt3A_66, %gt3A_69 : vector<48x1xi1>
      %convert_element_type3A_70 = arith.extui %and3A : vector<48x1xi1> to vector<48x1xi32>
      %convert_element_type3A_71 = arith.sitofp %convert_element_type3A_70 : vector<48x1xi32> to vector<48x1xf32>
      %reduce_sum3A_72 = vector.shape_cast %convert_element_type3A_71 : vector<48x1xf32> to vector<1x48x1xf32>
      %reduce_sum3A_73 = arith.constant dense<0.000000e+00> : vector<1xf32>
      %reduce_sum3A_74 = vector.multi_reduction <add>, %reduce_sum3A_72, %reduce_sum3A_73 [1, 2] : vector<1x48x1xf32> to vector<1xf32>
      %reduce_sum3A_75 = vector.shape_cast %reduce_sum3A_74 : vector<1xf32> to vector<1x1x1xf32>
      %reduce_sum3A_76 = vector.extract %reduce_sum3A_75[0, 0, 0] : f32 from vector<1x1x1xf32>
      %max3A_77 = arith.constant 1.000000e+00 : f32
      %max3A_78 = arith.maximumf %reduce_sum3A_76, %max3A_77 : f32
      %iota3A_79 = tpu.iota {dimensions = array<i32: 0>} : vector<48x48xi32>
      %iota3A_80 = tpu.iota {dimensions = array<i32: 1>} : vector<48x48xi32>
      %eq3A_81 = arith.cmpi eq, %iota3A_79, %iota3A_80 : vector<48x48xi32>
      %convert_element_type3A_82 = arith.extui %eq3A_81 : vector<48x48xi1> to vector<48x48xi32>
      %convert_element_type3A_83 = arith.sitofp %convert_element_type3A_82 : vector<48x48xi32> to vector<48x48xf32>
      %mul3A_84 = vector.broadcast %convert_element_type3A_71 : vector<48x1xf32> to vector<48x48xf32>
      %mul3A_85 = arith.mulf %convert_element_type3A_83, %mul3A_84 : vector<48x48xf32>
      %reduce_sum3A_86 = arith.constant dense<0.000000e+00> : vector<48xf32>
      %reduce_sum3A_87 = vector.multi_reduction <add>, %mul3A_85, %reduce_sum3A_86 [0] : vector<48x48xf32> to vector<48xf32>
      %broadcast_in_dim3A_88 = vector.shape_cast %reduce_sum3A_87 : vector<48xf32> to vector<1x48xf32>
      %get3A_89 = arith.constant 0 : index
      %get3A_90 = arith.constant 0 : index
      %get3A_91 = vector.load %arg10[%get3A_89, %get3A_90] : memref<48x1xf32, #tpu.memory_space<vmem>>, vector<48x1xf32>
      %mul3A_92 = vector.broadcast %get3A_91 : vector<48x1xf32> to vector<48x48xf32>
      %mul3A_93 = arith.mulf %convert_element_type3A_83, %mul3A_92 : vector<48x48xf32>
      %reduce_sum3A_94 = arith.constant dense<0.000000e+00> : vector<48xf32>
      %reduce_sum3A_95 = vector.multi_reduction <add>, %mul3A_93, %reduce_sum3A_94 [0] : vector<48x48xf32> to vector<48xf32>
      %broadcast_in_dim3A_96 = vector.shape_cast %reduce_sum3A_95 : vector<48xf32> to vector<1x48xf32>
      %get3A_97 = arith.constant 0 : index
      %get3A_98 = arith.constant 0 : index
      %get3A_99 = vector.load %arg12[%get3A_97, %get3A_98] : memref<48x1xf32, #tpu.memory_space<vmem>>, vector<48x1xf32>
      %div3A = arith.divf %get3A_99, %max3A_63 : vector<48x1xf32>
      %jit3A = arith.constant 0.000000e+00 : f32
      %broadcast_in_dim3A_100 = vector.broadcast %jit3A : f32 to vector<48x1xf32>
      %select_n3A = arith.select %and3A, %div3A, %broadcast_in_dim3A_100 : vector<48x1xi1>, vector<48x1xf32>
      %reduce_sum3A_101 = vector.shape_cast %select_n3A : vector<48x1xf32> to vector<1x48x1xf32>
      %reduce_sum3A_102 = arith.constant dense<0.000000e+00> : vector<1xf32>
      %reduce_sum3A_103 = vector.multi_reduction <add>, %reduce_sum3A_101, %reduce_sum3A_102 [1, 2] : vector<1x48x1xf32> to vector<1xf32>
      %reduce_sum3A_104 = vector.shape_cast %reduce_sum3A_103 : vector<1xf32> to vector<1x1x1xf32>
      %reduce_sum3A_105 = vector.extract %reduce_sum3A_104[0, 0, 0] : f32 from vector<1x1x1xf32>
      %div3A_106 = arith.divf %reduce_sum3A_105, %max3A_78 : f32
      %get3A_107 = arith.constant 0 : index
      %get3A_108 = arith.constant 0 : index
      %get3A_109 = vector.load %arg8[%get3A_107, %get3A_108] : memref<48x128xf32, #tpu.memory_space<vmem>>, vector<48x128xf32>
      %dot_general3A_110 = arith.constant dense<0.000000e+00> : vector<48x48xf32>
      %dot_general3A_111 = tpu.matmul %get3A_109, %get3A_109, %dot_general3A_110 {dimension_numbers = #tpu.dot_dimension_numbers<[1], [1], [0], [0], [0, 0, 1, 0], [], []>, transpose_lhs_hint = false} : vector<48x128xf32>, vector<48x128xf32>, vector<48x48xf32> -> vector<48x48xf32>
      %add3A_112 = vector.broadcast %get3A_91 : vector<48x1xf32> to vector<48x48xf32>
      %add3A_113 = vector.broadcast %broadcast_in_dim3A_96 : vector<1x48xf32> to vector<48x48xf32>
      %add3A_114 = arith.addf %add3A_112, %add3A_113 : vector<48x48xf32>
      %mul3A_115 = arith.constant 2.000000e+00 : f32
      %mul3A_116 = vector.broadcast %mul3A_115 : f32 to vector<48x48xf32>
      %mul3A_117 = arith.mulf %mul3A_116, %dot_general3A_111 : vector<48x48xf32>
      %sub3A_118 = arith.subf %add3A_114, %mul3A_117 : vector<48x48xf32>
      %max3A_119 = arith.constant 0.000000e+00 : f32
      %max3A_120 = vector.broadcast %max3A_119 : f32 to vector<48x48xf32>
      %max3A_121 = arith.maximumf %sub3A_118, %max3A_120 : vector<48x48xf32>
      %mul3A_122 = vector.broadcast %convert_element_type3A_71 : vector<48x1xf32> to vector<48x48xf32>
      %mul3A_123 = vector.broadcast %broadcast_in_dim3A_88 : vector<1x48xf32> to vector<48x48xf32>
      %mul3A_124 = arith.mulf %mul3A_122, %mul3A_123 : vector<48x48xf32>
      %lt3A = arith.cmpi slt, %iota3A_79, %iota3A_80 : vector<48x48xi32>
      %convert_element_type3A_125 = arith.extui %lt3A : vector<48x48xi1> to vector<48x48xi32>
      %convert_element_type3A_126 = arith.sitofp %convert_element_type3A_125 : vector<48x48xi32> to vector<48x48xf32>
      %mul3A_127 = arith.mulf %mul3A_124, %convert_element_type3A_126 : vector<48x48xf32>
      %gt3A_128 = arith.constant 0.000000e+00 : f32
      %gt3A_129 = vector.broadcast %gt3A_128 : f32 to vector<48x48xf32>
      %gt3A_130 = arith.cmpf ogt, %mul3A_127, %gt3A_129 : vector<48x48xf32>
      %jit3A_131 = arith.constant 1.000000e+00 : f32
      %broadcast_in_dim3A_132 = vector.broadcast %jit3A_131 : f32 to vector<48x48xf32>
      %select_n3A_133 = arith.select %gt3A_130, %max3A_121, %broadcast_in_dim3A_132 : vector<48x48xi1>, vector<48x48xf32>
      %sqrt3A_134 = math.sqrt %select_n3A_133 : vector<48x48xf32>
      %sub3A_135 = arith.constant 3.000000e+00 : f32
      %sub3A_136 = vector.broadcast %sub3A_135 : f32 to vector<48x48xf32>
      %sub3A_137 = arith.subf %sub3A_136, %sqrt3A_134 : vector<48x48xf32>
      %max3A_138 = arith.constant 0.000000e+00 : f32
      %max3A_139 = vector.broadcast %max3A_138 : f32 to vector<48x48xf32>
      %max3A_140 = arith.maximumf %sub3A_137, %max3A_139 : vector<48x48xf32>
      %square3A_141 = arith.mulf %max3A_140, %max3A_140 : vector<48x48xf32>
      %reduce_sum3A_142 = vector.shape_cast %mul3A_127 : vector<48x48xf32> to vector<1x48x48xf32>
      %reduce_sum3A_143 = arith.constant dense<0.000000e+00> : vector<1xf32>
      %reduce_sum3A_144 = vector.multi_reduction <add>, %reduce_sum3A_142, %reduce_sum3A_143 [1, 2] : vector<1x48x48xf32> to vector<1xf32>
      %reduce_sum3A_145 = vector.shape_cast %reduce_sum3A_144 : vector<1xf32> to vector<1x1x1xf32>
      %reduce_sum3A_146 = vector.extract %reduce_sum3A_145[0, 0, 0] : f32 from vector<1x1x1xf32>
      %gt3A_147 = arith.constant 0.000000e+00 : f32
      %gt3A_148 = arith.cmpf ogt, %reduce_sum3A_146, %gt3A_147 : f32
      %mul3A_149 = arith.mulf %square3A_141, %mul3A_127 : vector<48x48xf32>
      %reduce_sum3A_150 = vector.shape_cast %mul3A_149 : vector<48x48xf32> to vector<1x48x48xf32>
      %reduce_sum3A_151 = arith.constant dense<0.000000e+00> : vector<1xf32>
      %reduce_sum3A_152 = vector.multi_reduction <add>, %reduce_sum3A_150, %reduce_sum3A_151 [1, 2] : vector<1x48x48xf32> to vector<1xf32>
      %reduce_sum3A_153 = vector.shape_cast %reduce_sum3A_152 : vector<1xf32> to vector<1x1x1xf32>
      %reduce_sum3A_154 = vector.extract %reduce_sum3A_153[0, 0, 0] : f32 from vector<1x1x1xf32>
      %max3A_155 = arith.constant 1.000000e+00 : f32
      %max3A_156 = arith.maximumf %reduce_sum3A_146, %max3A_155 : f32
      %div3A_157 = arith.divf %reduce_sum3A_154, %max3A_156 : f32
      %jit3A_158 = arith.constant 0.000000e+00 : f32
      %select_n3A_159 = arith.select %gt3A_148, %div3A_157, %jit3A_158 : f32
      %jit3A_160 = arith.constant 1.000000e+00 : f32
      %broadcast_in_dim3A_161 = vector.broadcast %jit3A_160 : f32 to vector<48x1xf32>
      %select_n3A_162 = arith.select %and3A, %get3A_91, %broadcast_in_dim3A_161 : vector<48x1xi1>, vector<48x1xf32>
      %sqrt3A_163 = math.sqrt %select_n3A_162 : vector<48x1xf32>
      %jit3A_164 = arith.constant 0.000000e+00 : f32
      %broadcast_in_dim3A_165 = vector.broadcast %jit3A_164 : f32 to vector<48x1xf32>
      %select_n3A_166 = arith.select %and3A, %sqrt3A_163, %broadcast_in_dim3A_165 : vector<48x1xi1>, vector<48x1xf32>
      %reduce_sum3A_167 = vector.shape_cast %select_n3A_166 : vector<48x1xf32> to vector<1x48x1xf32>
      %reduce_sum3A_168 = arith.constant dense<0.000000e+00> : vector<1xf32>
      %reduce_sum3A_169 = vector.multi_reduction <add>, %reduce_sum3A_167, %reduce_sum3A_168 [1, 2] : vector<1x48x1xf32> to vector<1xf32>
      %reduce_sum3A_170 = vector.shape_cast %reduce_sum3A_169 : vector<1xf32> to vector<1x1x1xf32>
      %reduce_sum3A_171 = vector.extract %reduce_sum3A_170[0, 0, 0] : f32 from vector<1x1x1xf32>
      %div3A_172 = arith.divf %reduce_sum3A_171, %max3A_78 : f32
      %mul3A_173 = arith.constant 1.000000e+00 : f32
      %mul3A_174 = arith.mulf %mul3A_173, %div3A_106 : f32
      %mul3A_175 = arith.constant 1.000000e+00 : f32
      %mul3A_176 = arith.mulf %mul3A_175, %select_n3A_159 : f32
      %add3A_177 = arith.addf %mul3A_174, %mul3A_176 : f32
      %mul3A_178 = arith.constant 1.000000e-03 : f32
      %mul3A_179 = arith.mulf %mul3A_178, %div3A_172 : f32
      %add3A_180 = arith.addf %add3A_177, %mul3A_179 : f32
      %broadcast_in_dim3A_181 = vector.broadcast %add3A_180 : f32 to vector<1x1xf32>
      %swap3A_182 = arith.constant 0 : index
      %swap3A_183 = arith.constant 0 : index
      %swap3A_184 = vector.load %arg7[%swap3A_182, %swap3A_183] : memref<1x1xf32, #tpu.memory_space<vmem>>, vector<1x1xf32>
      tpu.vector_store %arg7[%swap3A_182, %swap3A_183], %broadcast_in_dim3A_181 {strides = array<i32>} : memref<1x1xf32, #tpu.memory_space<vmem>>, vector<1x1xf32>,
    } else {
    }
    return
  }
  func.func @transform_0(%arg0: i32) -> (i32, i32, i32) {
    %c0_i32 = arith.constant 0 : i32
    %c0_i32_0 = arith.constant 0 : i32
    %c0_i32_1 = arith.constant 0 : i32
    return %arg0, %c0_i32, %c0_i32_0 : i32, i32, i32
  }
  func.func @transform_1(%arg0: i32) -> (i32, i32) {
    %c0_i32 = arith.constant 0 : i32
    %c0_i32_0 = arith.constant 0 : i32
    return %arg0, %c0_i32 : i32, i32
  }
  func.func @transform_2(%arg0: i32) -> (i32, i32, i32) {
    %c0_i32 = arith.constant 0 : i32
    %c0_i32_0 = arith.constant 0 : i32
    %c0_i32_1 = arith.constant 0 : i32
    %c0_i32_2 = arith.constant 0 : i32
    return %c0_i32, %c0_i32_0, %c0_i32_1 : i32, i32, i32
  }
  func.func @transform_3(%arg0: i32) -> (i32, i32, i32) {
    %c0_i32 = arith.constant 0 : i32
    %c0_i32_0 = arith.constant 0 : i32
    %c0_i32_1 = arith.constant 0 : i32
    %c0_i32_2 = arith.constant 0 : i32
    return %c0_i32, %c0_i32_0, %c0_i32_1 : i32, i32, i32
  }
  func.func @transform_4(%arg0: i32) -> (i32, i32) {
    %c0_i32 = arith.constant 0 : i32
    %c0_i32_0 = arith.constant 0 : i32
    %c0_i32_1 = arith.constant 0 : i32
    return %c0_i32, %c0_i32_0 : i32, i32
  }
  func.func @transform_5(%arg0: i32) -> (i32, i32) {
    %c0_i32 = arith.constant 0 : i32
    %c0_i32_0 = arith.constant 0 : i32
    %c0_i32_1 = arith.constant 0 : i32
    return %c0_i32, %c0_i32_0 : i32, i32
  }
  func.func @transform_6(%arg0: i32) -> (i32, i32) {
    %c0_i32 = arith.constant 0 : i32
    %c0_i32_0 = arith.constant 0 : i32
    %c0_i32_1 = arith.constant 0 : i32
    return %c0_i32, %c0_i32_0 : i32, i32
  }
}

module attributes {stable_mosaic.version = 14 : i64} {
  func.func @_tc_p1_body(%arg0: i32, %arg1: memref<1x1x10000xi32, #tpu.memory_space<vmem>>, %arg2: memref<10000x128xf32, #tpu.memory_space<vmem>>, %arg3: memref<48x128xf32, #tpu.memory_space<vmem>>, %arg4: memref<48x1xf32, #tpu.memory_space<vmem>>) attributes {dimension_semantics = [#tpu.dimension_semantics<arbitrary>], iteration_bounds = array<i64: 8>, scalar_prefetch = 0 : i64, scratch_operands = 0 : i64, tpu.core_type = #tpu.core_type<tc>, window_params = [{transform_indices = @transform_0, window_bounds = array<i64: 1, 1, 10000>}, {transform_indices = @transform_1, window_bounds = array<i64: 10000, 128>}, {pipeline_mode = #tpu.pipeline_mode<synchronous>, transform_indices = @transform_2, window_bounds = array<i64: 48, 128>}, {pipeline_mode = #tpu.pipeline_mode<synchronous>, transform_indices = @transform_3, window_bounds = array<i64: 48, 1>}]} {
    %eq3A = arith.constant 0 : i32
    %eq3A_0 = arith.cmpi eq, %arg0, %eq3A : i32
    %convert_element_type3A = arith.extui %eq3A_0 : i1 to i32
    %cond3A = arith.constant 0 : i32
    %cond3A_1 = arith.cmpi ne, %convert_element_type3A, %cond3A : i32
    scf.if %cond3A_1 {
      %broadcast_in_dim3A_28 = arith.constant 0.000000e+00 : f32
      %broadcast_in_dim3A_29 = vector.broadcast %broadcast_in_dim3A_28 : f32 to vector<48x128xf32>
      %swap3A_30 = arith.constant 0 : index
      %swap3A_31 = arith.constant 0 : index
      %swap3A_32 = vector.load %arg3[%swap3A_30, %swap3A_31] : memref<48x128xf32, #tpu.memory_space<vmem>>, vector<48x128xf32>
      tpu.vector_store %arg3[%swap3A_30, %swap3A_31], %broadcast_in_dim3A_29 {strides = array<i32>} : memref<48x128xf32, #tpu.memory_space<vmem>>, vector<48x128xf32>,
      %broadcast_in_dim3A_33 = arith.constant 0.000000e+00 : f32
      %broadcast_in_dim3A_34 = vector.broadcast %broadcast_in_dim3A_33 : f32 to vector<48x1xf32>
      %swap3A_35 = arith.constant 0 : index
      %swap3A_36 = arith.constant 0 : index
      %swap3A_37 = vector.load %arg4[%swap3A_35, %swap3A_36] : memref<48x1xf32, #tpu.memory_space<vmem>>, vector<48x1xf32>
      tpu.vector_store %arg4[%swap3A_35, %swap3A_36], %broadcast_in_dim3A_34 {strides = array<i32>} : memref<48x1xf32, #tpu.memory_space<vmem>>, vector<48x1xf32>,
    } else {
    }
    %get3A = arith.constant 0 : index
    %get3A_2 = arith.constant 0 : index
    %get3A_3 = arith.constant 0 : index
    %get3A_4 = vector.load %arg1[%get3A, %get3A_2, %get3A_3] : memref<1x1x10000xi32, #tpu.memory_space<vmem>>, vector<1x1x10000xi32>
    %get3A_5 = vector.shape_cast %get3A_4 : vector<1x1x10000xi32> to vector<1x10000xi32>
    %iota3A = tpu.iota {dimensions = array<i32: 0>} : vector<48x1xi32>
    %eq3A_6 = vector.broadcast %iota3A : vector<48x1xi32> to vector<48x10000xi32>
    %eq3A_7 = vector.broadcast %get3A_5 : vector<1x10000xi32> to vector<48x10000xi32>
    %eq3A_8 = arith.cmpi eq, %eq3A_6, %eq3A_7 : vector<48x10000xi32>
    %convert_element_type3A_9 = arith.extui %eq3A_8 : vector<48x10000xi1> to vector<48x10000xi32>
    %convert_element_type3A_10 = arith.sitofp %convert_element_type3A_9 : vector<48x10000xi32> to vector<48x10000xf32>
    %get3A_11 = arith.constant 0 : index
    %get3A_12 = arith.constant 0 : index
    %get3A_13 = vector.load %arg2[%get3A_11, %get3A_12] : memref<10000x128xf32, #tpu.memory_space<vmem>>, vector<10000x128xf32>
    %get3A_14 = arith.constant 0 : index
    %get3A_15 = arith.constant 0 : index
    %get3A_16 = vector.load %arg3[%get3A_14, %get3A_15] : memref<48x128xf32, #tpu.memory_space<vmem>>, vector<48x128xf32>
    %dot_general3A = arith.constant dense<0.000000e+00> : vector<48x128xf32>
    %dot_general3A_17 = tpu.matmul %convert_element_type3A_10, %get3A_13, %dot_general3A {dimension_numbers = #tpu.dot_dimension_numbers<[1], [0], [0], [1], [0, 0, 1, 1], [], []>, transpose_lhs_hint = false} : vector<48x10000xf32>, vector<10000x128xf32>, vector<48x128xf32> -> vector<48x128xf32>
    %add3A = arith.addf %get3A_16, %dot_general3A_17 : vector<48x128xf32>
    %swap3A = arith.constant 0 : index
    %swap3A_18 = arith.constant 0 : index
    %swap3A_19 = vector.load %arg3[%swap3A, %swap3A_18] : memref<48x128xf32, #tpu.memory_space<vmem>>, vector<48x128xf32>
    tpu.vector_store %arg3[%swap3A, %swap3A_18], %add3A {strides = array<i32>} : memref<48x128xf32, #tpu.memory_space<vmem>>, vector<48x128xf32>,
    %get3A_20 = arith.constant 0 : index
    %get3A_21 = arith.constant 0 : index
    %get3A_22 = vector.load %arg4[%get3A_20, %get3A_21] : memref<48x1xf32, #tpu.memory_space<vmem>>, vector<48x1xf32>
    %reduce_sum3A = arith.constant dense<0.000000e+00> : vector<48xf32>
    %reduce_sum3A_23 = vector.multi_reduction <add>, %convert_element_type3A_10, %reduce_sum3A [1] : vector<48x10000xf32> to vector<48xf32>
    %broadcast_in_dim3A = vector.shape_cast %reduce_sum3A_23 : vector<48xf32> to vector<48x1xf32>
    %add3A_24 = arith.addf %get3A_22, %broadcast_in_dim3A : vector<48x1xf32>
    %swap3A_25 = arith.constant 0 : index
    %swap3A_26 = arith.constant 0 : index
    %swap3A_27 = vector.load %arg4[%swap3A_25, %swap3A_26] : memref<48x1xf32, #tpu.memory_space<vmem>>, vector<48x1xf32>
    tpu.vector_store %arg4[%swap3A_25, %swap3A_26], %add3A_24 {strides = array<i32>} : memref<48x1xf32, #tpu.memory_space<vmem>>, vector<48x1xf32>,
    return
  }
  func.func @transform_0(%arg0: i32) -> (i32, i32, i32) {
    %c0_i32 = arith.constant 0 : i32
    %c0_i32_0 = arith.constant 0 : i32
    %c0_i32_1 = arith.constant 0 : i32
    return %arg0, %c0_i32, %c0_i32_0 : i32, i32, i32
  }
  func.func @transform_1(%arg0: i32) -> (i32, i32) {
    %c0_i32 = arith.constant 0 : i32
    %c0_i32_0 = arith.constant 0 : i32
    return %arg0, %c0_i32 : i32, i32
  }
  func.func @transform_2(%arg0: i32) -> (i32, i32) {
    %c0_i32 = arith.constant 0 : i32
    %c0_i32_0 = arith.constant 0 : i32
    %c0_i32_1 = arith.constant 0 : i32
    return %c0_i32, %c0_i32_0 : i32, i32
  }
  func.func @transform_3(%arg0: i32) -> (i32, i32) {
    %c0_i32 = arith.constant 0 : i32
    %c0_i32_0 = arith.constant 0 : i32
    %c0_i32_1 = arith.constant 0 : i32
    return %c0_i32, %c0_i32_0 : i32, i32
  }
}

</mosaic_0001>

<sc_bundles>
// kernel: kernel.5.cloned.1.call-start
scs
__scs_entry_jumppad:
0x0: {  	(pc) =	sbr.rel $0x88, $3  }
0x1: {  	(tag) =	ssettag $0x0;
	lr =	simm.s32 $0x1  }
0x2: {  	[smem:$0x3F9F] =	sst lr;
	_ =	strace $0xD0000000  }
0x3: {  	_ = 	snop  }
0x4: {  	_ = 	snop  }
0x5: {  	_ = 	snop  }
0x6: {  	_ = 	snop  }
0x7: {  	_ = 	snop  }
__scs_overlays_trampoline_lowered:
0x8: {  	[smem:$0x3FAE] =	sst s0  }
0x9: {  	[smem:$0x3FAF] =	sst s1  }
0xa: {  	[smem:$0x3FB0] =	sst s2  }
0xb: {  	[smem:$0x3FB1] =	sst s3  }
0xc: {  	[smem:$0x3FB2] =	sst s4  }
0xd: {  	[smem:$0x3FB3] =	sst s5  }
0xe: {  	[smem:$0x3FB4] =	sst s6  }
0xf: {  	[smem:$0x3FB5] =	sst s7  }
0x10: {  	[smem:$0x3FB6] =	sst s8  }
0x11: {  	[smem:$0x3FB7] =	sst s9;
	s0 =	simm.s32 @!p0 $0x0  }
0x12: {  	s1 =	sld [smem:$0x3F9D];
	s0 =	simm.s32 @p0 $0x1  }
0x13: {  	[smem:$0x3FB8] =	sst s0;
	s0 =	simm.s32 @!p1 $0x0  }
0x14: {  	s2 =	sld [smem:$0x3F9C];
	s0 =	simm.s32 @p1 $0x1  }
0x15: {  	[smem:$0x3FB9] =	sst s0;
	s0 =	simm.s32 @!p2 $0x0  }
0x16: {  	s3 =	sld [smem:$0x3FDB];
	s0 =	simm.s32 @p2 $0x1  }
0x17: {  	s4 =	simm.s32 $0x1BF5;
	[smem:$0x3FBB] =	sst s0  }
0x18: {  	s0 =	sld [smem:$0x3F9E];
	_ =	swait.ge [sflag:s4], $0x0  }
0x19: {  	s7 =	sld [smem:$0x3F9F]  }
0x1a: {  	s8 =	sadd.s32 $0xFFFFE003, lr  }
0x1b: {  	s9 =	sadd.s32 $0xFFFFFEF7, lr;
	s5 =	simm.s32 $0xFFFFFFFF;
	p2 =	slt.u32 s8, $0xFFFFF086  }
0x1c: {  	p1 =	slt.u32 s9, $0xF7A;
	s5 =	simm.s32 @!p2 $0x0  }
0x1d: {  	s5 =	simm.s32 @p1 $0x1;
	p0 =	seq.s32 s7, s2  }
0x1e: {  	s7 =	smul.u32 @!p0 $0xF7A, s2;
	p2 =	seq.s32 @!p0 s5, $0x0  }
0x1f: {  	s9 =	smul.u32 $0xF7A, s1;
	s8 =	simm.s32 @!p0 $0x1BF5;
	p2 =	por !p2, p0  }
0x20: {  	[sflag:s8] =	ssyncset.s32 @!p0 $0xFFFFF086;
	s6 =	sadd.s32 @!p0 s3, s7;
	s7 =	simm.s32 @!p0 $0x108  }
0x21: {  	s3 =	sadd.s32 s3, s9;
	s6 =	sadd.s32 @!p0 $0x88, s6;
	s7 =	simm.s32 @p2 $0x1082  }
0x22: {  	[simem:s7], [sflag:s8] =	dma.local @!p0 [hbm:s6], $0xF7A  }
0x23: {  	s9 =	sor.u32 $0xD0000000, s2;
	s6 =	simm.s32 $0x108;
	_ =	swait.ge @!p0 [sflag:s8], $0x0  }
0x24: {  	s3 =	sadd.s32 $0x88, s3;
	s6 =	simm.s32 @!p1 $0x1082;
	[sflag:s4] =	ssyncset.s32 $0xFFFFF086  }
0x25: {  	[simem:s6], [sflag:s4] =	dma.local [hbm:s3], $0xF7A  }
0x26: {  	[smem:$0x3F9F] =	sst s1;
	(tag) =	ssettag s2;
	_ =	strace s9  }
0x27: {  	s1 =	sld [smem:$0x3FAF]  }
0x28: {  	s2 =	sld [smem:$0x3FB0]  }
0x29: {  	s4 =	sld [smem:$0x3FB2]  }
0x2a: {  	p0 =	seq.s32 s5, $0x0;
	s5 =	sld [smem:$0x3FB3]  }
0x2b: {  	s6 =	sld [smem:$0x3FB4]  }
0x2c: {  	s7 =	sld [smem:$0x3FB5]  }
0x2d: {  	s3 =	simm.s32 $0x108;
	s8 =	sld [smem:$0x3FB6]  }
0x2e: {  	s3 =	simm.s32 @!p0 $0x1082;
	s9 =	sld [smem:$0x3FB7]  }
0x2f: {  	lr =	sadd.s32 s0, s3;
	s0 =	sld [smem:$0x3FAE]  }
0x30: {  	s3 =	sld [smem:$0x3FB1]  }
0x31: {  	[smem:$0x3FBA] =	sst s10  }
0x32: {  	s10 =	sld [smem:$0x3FB8];
	_ =	sdelay $0x3  }
0x33: {  	p0 =	seq.s32 s10, $0x1;
	s10 =	sld [smem:$0x3FBA];
	_ =	sdelay $0x3  }
0x34: {  	[smem:$0x3FBA] =	sst s10  }
0x35: {  	s10 =	sld [smem:$0x3FB9];
	_ =	sdelay $0x3  }
0x36: {  	p1 =	seq.s32 s10, $0x1;
	s10 =	sld [smem:$0x3FBA];
	_ =	sdelay $0x3  }
0x37: {  	[smem:$0x3FBA] =	sst s10  }
0x38: {  	s10 =	sld [smem:$0x3FBB]  }
0x39: {  	_ = 	snop;
	(pc) =	sbr.ind lr, $3  }
0x3a: {  	_ = 	snop  }
0x3b: {  	_ = 	snop  }
0x3c: {  	p2 =	seq.s32 s10, $0x1;
	s10 =	sld [smem:$0x3FBA]  }
0x3d: {  	_ =	shalt  }
0x3e: {  	_ =	shalt  }
0x3f: {  	_ =	shalt  }
0x40: {  	_ =	shalt  }
0x41: {  	_ =	shalt  }
0x42: {  	_ =	shalt  }
0x43: {  	_ =	shalt  }
0x44: {  	_ =	shalt  }
0x45: {  	_ =	shalt  }
0x46: {  	_ =	shalt  }
0x47: {  	_ =	shalt  }
0x48: {  	_ =	shalt  }
0x49: {  	_ =	shalt  }
0x4a: {  	_ =	shalt  }
0x4b: {  	_ =	shalt  }
0x4c: {  	_ =	shalt  }
0x4d: {  	_ =	shalt  }
0x4e: {  	_ =	shalt  }
0x4f: {  	_ =	shalt  }
0x50: {  	_ =	shalt  }
0x51: {  	_ =	shalt  }
0x52: {  	_ =	shalt  }
0x53: {  	_ =	shalt  }
0x54: {  	_ =	shalt  }
0x55: {  	_ =	shalt  }
0x56: {  	_ =	shalt  }
0x57: {  	_ =	shalt  }
0x58: {  	_ =	shalt  }
0x59: {  	_ =	shalt  }
0x5a: {  	_ =	shalt  }
0x5b: {  	_ =	shalt  }
0x5c: {  	_ =	shalt  }
0x5d: {  	_ =	shalt  }
0x5e: {  	_ =	shalt  }
0x5f: {  	_ =	shalt  }
0x60: {  	_ =	shalt  }
0x61: {  	_ =	shalt  }
0x62: {  	_ =	shalt  }
0x63: {  	_ =	shalt  }
0x64: {  	_ =	shalt  }
0x65: {  	_ =	shalt  }
0x66: {  	_ =	shalt  }
0x67: {  	_ =	shalt  }
0x68: {  	_ =	shalt  }
0x69: {  	_ =	shalt  }
0x6a: {  	_ =	shalt  }
0x6b: {  	_ =	shalt  }
0x6c: {  	_ =	shalt  }
0x6d: {  	_ =	shalt  }
0x6e: {  	_ =	shalt  }
0x6f: {  	_ =	shalt  }
0x70: {  	_ =	shalt  }
0x71: {  	_ =	shalt  }
0x72: {  	_ =	shalt  }
0x73: {  	_ =	shalt  }
0x74: {  	_ =	shalt  }
0x75: {  	_ =	shalt  }
0x76: {  	_ =	shalt  }
0x77: {  	_ =	shalt  }
0x78: {  	_ =	shalt  }
0x79: {  	_ =	shalt  }
0x7a: {  	_ =	shalt  }
0x7b: {  	_ =	shalt  }
0x7c: {  	_ =	shalt  }
0x7d: {  	_ =	shalt  }
0x7e: {  	_ =	shalt  }
0x7f: {  	_ =	shalt  }
0x80: {  	_ =	shalt  }
0x81: {  	_ =	shalt  }
0x82: {  	_ =	shalt  }
0x83: {  	_ =	shalt  }
0x84: {  	_ =	shalt  }
0x85: {  	_ =	shalt  }
0x86: {  	_ =	shalt  }
0x87: {  	_ =	shalt  }
.Lfunc_end0:
.L_simem_size_0:
called_computation_lowered:
.L_overlay_start_0:
0x88: {  	s2 =	sld [smem:$0x3FD9]  }
0x89: {  	s3 =	sld [smem:$0x3FFE];
	_ =	sdelay $0x1  }
0x8a: {  	s1 =	srdreg.scid  }
0x8b: {  	s0 =	sand.u32 $0x1, s1  }
0x8c: {  	s17 =	sshll.u32 s0, $0xA;
	s2 =	sadd.s32 s3, s2  }
0x8d: {  	s2 =	sadd.s32 s2, s17  }
0x8e: {  	[smem:$0x3FC6] =	sst s2  }
0x8f: {  	_ = 	snop  }
0x90: {  	s2 =	sld [smem:$0x3FC9]  }
0x91: {  	s18 =	sld [smem:$0x3FC8];
	(tm) =	ssettm $0x1  }
0x92: {  	s4 =	sld [smem:$0x3FFB];
	_ =	sdelay $0x3  }
0x93: {  	_ =	strace s4  }
0x94: {  	s4 =	sld [smem:$0x3FFC];
	_ =	sdelay $0x3  }
0x95: {  	_ =	strace s4  }
0x96: {  	s4 =	sld [smem:$0x3FFD];
	_ =	sdelay $0x3  }
0x97: {  	_ =	strace s4  }
0x98: {  	_ =	strace $0x8FFFFFFF  }
0x99: {  	s19 =	sld [smem:$0x3FDB];
	_ =	sdelay $0x1  }
0x9a: {  	s5 =	simm.s32 $_scs_section_size  }
0x9b: {  	s6 =	simm.s32 $_size__tile_overlayer_lowered;
	s7 =	simm.s32 $_tile_overlayer_lowered  }
0x9c: {  	s22 =	simm.s32 $0x1BFF;
	s21 =	sshll.u32 s7, $0x1;
	s4 =	sadd.s32 s5, s19  }
0x9d: {  	s8 =	simm.s32 $0x0;
	s20 =	sshll.u32 s6, $0x1;
	s6 =	sadd.s32 s21, s4  }
0x9e: {  	[timem:s8], [sflag:s22] =	dma.local [hbm:s6], s20  }
0x9f: {  	_ =	swait.ge [sflag:s22], s20  }
0xa0: {  	s5 =	ssub.s32 $0x0, s20;
	[sflag:s22] =	ssyncset.done $0x0  }
0xa1: {  	[sflag:s22] =	ssyncadd.s32 s5;
	_ =	sdelay $0x1  }
0xa2: {  	s23 =	simm.s32 $0x1B8B  }
0xa3: {  	_ =	swait.ge [sflag:s23], $0x1  }
0xa4: {  	[sflag:s23] =	ssyncset.done $0x0  }
0xa5: {  	s25 =	simm.s32 $0x1B8E;
	s24 =	sld [smem:$0x3FFE];
	[sflag:s23] =	ssyncadd.s32 $0xFFFFFFFF  }
0xa6: {  	s26 =	simm.s32 $execute0_lowered;
	[smem:$0x3FD2] =	sst s25  }
0xa7: {  	s6 =	sshll.u32 s26, $0x1;
	_ =	strace $0x80000046;
	[dreg:$0x1] =	wrdreg $0xFFFFFFFF  }
0xa8: {  	s28 =	simm.s32 $_size_execute0_lowered;
	s4 =	sadd.s32 s4, s6;
	[dreg:$0x0] =	wrdreg $0x0  }
0xa9: {  	s6 =	sshll.u32 s28, $0x1;
	[dreg:$0x2] =	wrdreg s4  }
0xaa: {  	[dreg:$0x3] =	wrdreg s6  }
0xab: {  	[dreg:$0x4] =	wrdreg $0xC0  }
0xac: {  	_ =	task [dreg:s8], $0x5FFFF  }
0xad: {  	[dreg:$0x1] =	wrdreg $0xFFFFFFFF  }
0xae: {  	[dreg:$0x0] =	wrdreg $0x60  }
0xaf: {  	[dreg:$0x2] =	wrdreg s2  }
0xb0: {  	[dreg:$0x3] =	wrdreg s18  }
0xb1: {  	[dreg:$0x4] =	wrdreg s24  }
0xb2: {  	[dreg:$0x5] =	wrdreg $0xD1800  }
0xb3: {  	[dreg:$0x6] =	wrdreg $0xD3000  }
0xb4: {  	[dreg:$0x7] =	wrdreg $0x9  }
0xb5: {  	_ =	task.clear_ibuf [dreg:s8], $0x8FFFF;
	_ =	strace $0x90000046  }
0xb6: {  	s29 =	simm.s32 $0x9;
	_ =	strace $0x80000048  }
0xb7: {  	_ =	swait.ge [sflag:s29], $0x1  }
0xb8: {  	[sflag:s29] =	ssyncadd.s32 $0xFFFFFFFF  }
0xb9: {  	_ =	strace $0x90000048  }
0xba: {  	_ =	sfence  }
0xbb: {  	s30 =	sld [smem:$0x0];
	_ =	sdelay $0x2  }
0xbc: {  	s31 =	sshll.u32 s1, $0xD;
	s1 =	sshrl.u32 s1, $0x2  }
0xbd: {  	s3 =	sand.u32 $0x4000, s31;
	s1 =	sadd.s32 s1, s30  }
0xbe: {  	s0 =	sor.u32 s3, s0;
	s1 =	sshll.u32 s1, $0x11  }
0xbf: {  	s0 =	sor.u32 s1, s0  }
0xc0: {  	s0 =	sadd.s32 $0x8F2B, s0  }
0xc1: {  	[sflag:s0] =	ssyncadd.remote.s32 $0x1  }
0xc2: {  	_ =	sfence.sel $0xFFFF  }
0xc3: {  	[dreg:$0x0] =	wrdreg $0xFFFFFFFF;
	(pc) =	sbr.abs _section_cstart, $3  }
0xc4: {  	[dreg:$0x1] =	wrdreg $0xFFFFFFFF  }
0xc5: {  	_ =	task.clear_ibuf [dreg:s8], $0x2FFFF;
	_ =	strace $0x9FFFFFFF  }
0xc6: {  	(tm) =	ssettm $0x7FFFFFFF  }
0xc7: {  	_ =	shalt  }
tec
execute0_lowered:
.L_overlay_start_1:
0x0: {  	(tag) =	ssettag $0x1  }
0x1: {  	s3 =	rddreg [dreg:$0x0]  }
0x2: {  	s5 =	rddreg [dreg:$0x1]  }
0x3: {  	s6 =	rddreg [dreg:$0x2]  }
0x4: {  	s0 =	srdreg.scid;
	s1 =	rddreg [dreg:$0x3]  }
0x5: {  	s8 =	stileid.u32;
	s2 =	rddreg [dreg:$0x4]  }
0x6: {  	s18 =	rddreg [dreg:$0x5];
	s4 =	simm.s32 $0x0;
	p3 =	por $0x0, $0x0  }
0x7: {  	s7 =	sand.u32 $0x1, s0;
	[smem:$0x7FF] =	sst s4;
	s11 =	sadd.s32 $0x1400, s6  }
0x8: {  	s26 =	sadd.s32 $0x30D0, s5;
	p0 =	sne.s32 s8, $0x0;
	s0 =	sshll.u32 s7, $0x4  }
0x9: {  	_ =	strace $0x80000047;
	[dreg:$0x6] =	wrdreg s11;
	s24 =	smul.u32 $0x300, s7  }
0xa: {  	[dreg:$0x12] =	wrdreg s26;
	s0 =	sor.u32 s8, s0;
	s8 =	simm.s32 $0x4000  }
0xb: {  	s9 =	sshll.u32 s0, $0x7;
	s25 =	sadd.s32 s24, s6;
	p1 =	sgt.u32 s0, $0x1B  }
0xc: {  	s10 =	sadd.s32 $0x13880, s9;
	s29 =	sadd.s32 $0x14880, s9;
	s31 =	sadd.s32 $0x15880, s9  }
0xd: {  	s19 =	sadd.s32 $0x16880, s9;
	s9 =	sadd.s32 $0x17880, s9;
	p2 =	sne.s32 @p1 s0, $0x1F  }
0xe: {  	s12 =	sshll.u32 s10, $0x4;
	s10 =	sshrl.u32 s10, $0x3;
	s30 =	sshll.u32 s29, $0x4  }
0xf: {  	s11 =	sshrl.u32 s29, $0x3;
	s14 =	sshll.u32 s31, $0x4;
	s16 =	sshrl.u32 s31, $0x3  }
0x10: {  	s20 =	sshll.u32 s19, $0x4;
	s22 =	sshll.u32 s9, $0x4;
	s9 =	sshrl.u32 s9, $0x3  }
0x11: {  	s29 =	sadd.s32 $0x1C00, s25;
	p2 =	por p2, !p1;
	s28 =	sadd.s32 s3, s12  }
0x12: {  	s10 =	sadd.s32 s5, s10;
	s13 =	sadd.s32 s5, s11;
	[dreg:$0x13] =	wrdreg s29  }
0x13: {  	s15 =	sadd.s32 s3, s14;
	s23 =	sadd.s32 s3, s22;
	s22 =	rddreg [dreg:$0x6]  }
0x14: {  	s17 =	sadd.s32 s5, s16;
	s11 =	sshrl.u32 s19, $0x3;
	[dreg:$0x7] =	wrdreg s28  }
0x15: {  	s9 =	sadd.s32 s5, s9;
	s16 =	simm.s32 $0x5;
	[dreg:$0x8] =	wrdreg s10  }
0x16: {  	s14 =	simm.s32 $0x1;
	[dreg:$0xa] =	wrdreg s13;
	s28 =	ssub.s32 $0x2, s7  }
0x17: {  	s12 =	simm.s32 $0x3;
	[dreg:$0xb] =	wrdreg s15;
	s7 =	sshrl.u32 s28, $0x1  }
0x18: {  	[dreg:$0xc] =	wrdreg s17;
	s21 =	sadd.s32 s5, s11;
	s5 =	ssub.s32 s28, s7  }
0x19: {  	s10 =	sadd.s32 s3, s30;
	[dreg:$0xf] =	wrdreg s23;
	s31 =	smax.u32 s5, $0x1  }
0x1a: {  	[dreg:$0x10] =	wrdreg s9;
	s30 =	sadd.s32 $0x2200, s25;
	s0 =	sadd.s32 $0xFFFFFFFF, s31  }
0x1b: {  	s15 =	sadd.s32 $0x1000, s6;
	[dreg:$0x9] =	wrdreg s10;
	p4 =	sne.s32 s0, $0x0  }
.Ltmp0:
0x1c: {  	s6 =	simm.s32 $0x9180;
	[dreg:$0xe] =	wrdreg s21;
	(pc) =	sbr.rel @!p4 .LBB2_1-.Ltmp0, $4  }
0x1d: {  	s13 =	simm.s32 $0x8000;
	s10 =	sadd.s32 s3, s20;
	[dreg:$0x14] =	wrdreg s30  }
0x1e: {  	s9 =	simm.s32 $0x8080;
	s3 =	sadd.s32 $0x186800, s3;
	[dreg:$0xd] =	wrdreg s10  }
0x1f: {  	s11 =	simm.s32 $0x2;
	[dreg:$0x11] =	wrdreg s3;
	s10 =	simm.s32 $0x80  }
0x20: {  	s7 =	simm.s32 $0x4;
	s3 =	sshrl.u32 @!p0 s2, $0x3;
	s5 =	sshrl.u32 @!p0 s1, $0x3  }
0x21: {  	[tilespmem:s6], [sflag:$0x5] =	stream.linear.gather [hbm4b:s22+s4], $0x4000, $0x38;
	[tilespmem:$0xD480] =	vst v63  }
0x22: {  	_ =	swait.ge [sflag:s16], $0x4000  }
0x23: {  	[sflag:s16] =	ssyncset.done $0x0  }
0x24: {  	s17 =	simm.s32 @!p0 $0x5;
	s18 =	simm.s32 @!p0 $0x1C05;
	[sflag:s16] =	ssyncadd.s32 $0xFFFFC000  }
0x25: {  	[spmem:s5], [sflag:s18] =	dma.local @!p0 [hbm:s15], $0x300  }
0x26: {  	_ =	swait.ge @!p0 [sflag:s17], $0x300  }
0x27: {  	[sflag:s17] =	ssyncset.done @!p0 $0x0  }
0x28: {  	[sflag:s17] =	ssyncadd.s32 @!p0 $0xFFFFFD00  }
0x29: {  	[spmem:s3], [sflag:s18] =	dma.local @!p0 [hbm:s15], $0x300  }
0x2a: {  	_ =	swait.ge @!p0 [sflag:s17], $0x300  }
0x2b: {  	[sflag:s17] =	ssyncset.done @!p0 $0x0  }
0x2c: {  	[sflag:s17] =	ssyncadd.s32 @!p0 $0xFFFFFD00  }
0x2d: {  	[bflag:$0x0] =	sbarrier.arrive $0xFFFF  }
0x2e: {  	s19 =	rddreg [dreg:$0x7]  }
0x2f: {  	[tilespmem:s4], [sflag:$0x1] =	stream.linear.gather [hbm4b:s19+s4], $0x4000, $0x38;
	[tilespmem:$0xD480] =	vst v63  }
0x30: {  	s20 =	rddreg [dreg:$0x8]  }
0x31: {  	[tilespmem:s13], [sflag:$0x1] =	stream.linear.gather [hbm4b:s20+s4], $0x80, $0x38;
	[tilespmem:$0xD480] =	vst v63  }
0x32: {  	s21 =	rddreg [dreg:$0x9]  }
0x33: {  	[tilespmem:s8], [sflag:$0x2] =	stream.linear.gather [hbm4b:s21+s4], $0x4000, $0x38;
	[tilespmem:$0xD480] =	vst v63  }
0x34: {  	s22 =	rddreg [dreg:$0xa]  }
0x35: {  	[tilespmem:s9], [sflag:$0x2] =	stream.linear.gather [hbm4b:s22+s4], $0x80, $0x38;
	[tilespmem:$0xD480] =	vst v63  }
0x36: {  	_ =	swait.ge [sflag:s14], $0x4000  }
0x37: {  	[sflag:s14] =	ssyncset.done $0x0  }
0x38: {  	[sflag:s14] =	ssyncadd.s32 $0xFFFFC000  }
0x39: {  	_ =	swait.ge [sflag:s14], $0x80  }
0x3a: {  	[sflag:s14] =	ssyncset.done $0x0  }
0x3b: {  	[sflag:s14] =	ssyncadd.s32 $0xFFFFFF80  }
0x3c: {  	[spmem:s1] =	stream.indirect.scatter.add.f32 [tilespmem:s4], [sflag:$0x3], $0x80, s13, s10, $0xb8;
	[tilespmem:$0xD480] =	vst v63  }
0x3d: {  	_ = 	snop  }
0x3e: {  	[spmem:s2] =	stream.indirect.scatter.add.f32 [tilespmem:s6], [sflag:$0x3], $0x80, s13, s10, $0xb8;
	[tilespmem:$0xD480] =	vst v63  }
0x3f: {  	_ =	swait.ge [sflag:s12], $0x4000  }
0x40: {  	[sflag:s12] =	ssyncset.done $0x0  }
0x41: {  	[sflag:s12] =	ssyncadd.s32 $0xFFFFC000  }
0x42: {  	_ =	swait.ge [sflag:s12], $0x4000  }
0x43: {  	[sflag:s12] =	ssyncset.done $0x0  }
0x44: {  	s23 =	rddreg [dreg:$0xb];
	[sflag:s12] =	ssyncadd.s32 $0xFFFFC000  }
0x45: {  	[tilespmem:s4], [sflag:$0x1] =	stream.linear.gather [hbm4b:s23+s4], $0x4000, $0x38;
	[tilespmem:$0xD480] =	vst v63  }
0x46: {  	s24 =	rddreg [dreg:$0xc]  }
0x47: {  	[tilespmem:s13], [sflag:$0x1] =	stream.linear.gather [hbm4b:s24+s4], $0x80, $0x38;
	[tilespmem:$0xD480] =	vst v63  }
0x48: {  	_ =	swait.ge [sflag:s11], $0x4000  }
0x49: {  	[sflag:s11] =	ssyncset.done $0x0  }
0x4a: {  	[sflag:s11] =	ssyncadd.s32 $0xFFFFC000  }
0x4b: {  	_ =	swait.ge [sflag:s11], $0x80  }
0x4c: {  	[sflag:s11] =	ssyncset.done $0x0  }
0x4d: {  	[sflag:s11] =	ssyncadd.s32 $0xFFFFFF80  }
0x4e: {  	[spmem:s1] =	stream.indirect.scatter.add.f32 [tilespmem:s8], [sflag:$0x4], $0x80, s9, s10, $0xb8;
	[tilespmem:$0xD480] =	vst v63  }
0x4f: {  	_ = 	snop  }
0x50: {  	[spmem:s2] =	stream.indirect.scatter.add.f32 [tilespmem:s6], [sflag:$0x4], $0x80, s9, s10, $0xb8;
	[tilespmem:$0xD480] =	vst v63  }
0x51: {  	_ =	swait.ge [sflag:s7], $0x4000  }
0x52: {  	[sflag:s7] =	ssyncset.done $0x0  }
0x53: {  	[sflag:s7] =	ssyncadd.s32 $0xFFFFC000  }
0x54: {  	_ =	swait.ge [sflag:s7], $0x4000  }
0x55: {  	[sflag:s7] =	ssyncset.done $0x0  }
0x56: {  	s25 =	rddreg [dreg:$0xd];
	[sflag:s7] =	ssyncadd.s32 $0xFFFFC000  }
0x57: {  	[tilespmem:s8], [sflag:$0x2] =	stream.linear.gather [hbm4b:s25+s4], $0x4000, $0x38;
	[tilespmem:$0xD480] =	vst v63  }
0x58: {  	s26 =	rddreg [dreg:$0xe]  }
0x59: {  	[tilespmem:s9], [sflag:$0x2] =	stream.linear.gather [hbm4b:s26+s4], $0x80, $0x38;
	[tilespmem:$0xD480] =	vst v63  }
0x5a: {  	_ =	swait.ge [sflag:s14], $0x4000  }
0x5b: {  	[sflag:s14] =	ssyncset.done $0x0  }
0x5c: {  	[sflag:s14] =	ssyncadd.s32 $0xFFFFC000  }
0x5d: {  	_ =	swait.ge [sflag:s14], $0x80  }
0x5e: {  	[sflag:s14] =	ssyncset.done $0x0  }
0x5f: {  	[sflag:s14] =	ssyncadd.s32 $0xFFFFFF80  }
0x60: {  	[spmem:s1] =	stream.indirect.scatter.add.f32 [tilespmem:s4], [sflag:$0x3], $0x80, s13, s10, $0xb8;
	[tilespmem:$0xD480] =	vst v63  }
0x61: {  	_ = 	snop  }
0x62: {  	[spmem:s2] =	stream.indirect.scatter.add.f32 [tilespmem:s6], [sflag:$0x3], $0x80, s13, s10, $0xb8;
	[tilespmem:$0xD480] =	vst v63  }
0x63: {  	_ =	swait.ge [sflag:s12], $0x4000  }
0x64: {  	[sflag:s12] =	ssyncset.done $0x0  }
0x65: {  	[sflag:s12] =	ssyncadd.s32 $0xFFFFC000  }
0x66: {  	_ =	swait.ge [sflag:s12], $0x4000  }
0x67: {  	[sflag:s12] =	ssyncset.done $0x0  }
0x68: {  	s19 =	simm.s32 @!p1 $0x0;
	s20 =	rddreg [dreg:$0xf];
	[sflag:s12] =	ssyncadd.s32 $0xFFFFC000  }
0x69: {  	[tilespmem:s19], [sflag:$0x1] =	stream.linear.gather @!p1 [hbm4b:s20+s19], $0x4000, $0x38;
	[tilespmem:$0xD480] =	vst v63  }
0x6a: {  	s21 =	rddreg [dreg:$0x10];
	s20 =	simm.s32 @!p1 $0x8000  }
0x6b: {  	[tilespmem:s20], [sflag:$0x1] =	stream.linear.gather @!p1 [hbm4b:s21+s19], $0x80, $0x38;
	[tilespmem:$0xD480] =	vst v63  }
0x6c: {  	_ =	swait.ge [sflag:s11], $0x4000  }
0x6d: {  	[sflag:s11] =	ssyncset.done $0x0  }
0x6e: {  	[sflag:s11] =	ssyncadd.s32 $0xFFFFC000  }
0x6f: {  	_ =	swait.ge [sflag:s11], $0x80  }
0x70: {  	[sflag:s11] =	ssyncset.done $0x0  }
0x71: {  	[sflag:s11] =	ssyncadd.s32 $0xFFFFFF80  }
0x72: {  	[spmem:s1] =	stream.indirect.scatter.add.f32 [tilespmem:s8], [sflag:$0x4], $0x80, s9, s10, $0xb8;
	[tilespmem:$0xD480] =	vst v63  }
0x73: {  	_ = 	snop  }
0x74: {  	[spmem:s2] =	stream.indirect.scatter.add.f32 [tilespmem:s6], [sflag:$0x4], $0x80, s9, s10, $0xb8;
	[tilespmem:$0xD480] =	vst v63  }
0x75: {  	_ =	swait.ge [sflag:s7], $0x4000  }
0x76: {  	[sflag:s7] =	ssyncset.done $0x0  }
0x77: {  	[sflag:s7] =	ssyncadd.s32 $0xFFFFC000  }
0x78: {  	_ =	swait.ge [sflag:s7], $0x4000  }
0x79: {  	s28 =	simm.s32 @!p2 $0x8100;
	s23 =	simm.s32 @!p2 $0x0;
	[sflag:s7] =	ssyncset.done $0x0  }
0x7a: {  	s21 =	simm.s32 @!p2 $0x5;
	s22 =	rddreg [dreg:$0x11];
	[sflag:s7] =	ssyncadd.s32 $0xFFFFC000  }
0x7b: {  	[tilespmem:s28], [sflag:$0x5] =	stream.linear.gather @!p2 [hbm4b:s22+s23], $0x1000, $0x38;
	[tilespmem:$0xD480] =	vst v63  }
0x7c: {  	_ =	swait.ge @!p2 [sflag:s21], $0x1000  }
0x7d: {  	[sflag:s21] =	ssyncset.done @!p2 $0x0  }
0x7e: {  	s24 =	simm.s32 @!p2 $0x9100;
	s22 =	rddreg [dreg:$0x12];
	[sflag:s21] =	ssyncadd.s32 @!p2 $0xFFFFF000  }
0x7f: {  	[tilespmem:s24], [sflag:$0x5] =	stream.linear.gather @!p2 [hbm4b:s22+s23], $0x20, $0x38;
	[tilespmem:$0xD480] =	vst v63  }
0x80: {  	_ =	swait.ge @!p2 [sflag:s21], $0x20  }
0x81: {  	[sflag:s21] =	ssyncset.done @!p2 $0x0  }
0x82: {  	s26 =	simm.s32 @!p2 $0x3;
	s22 =	simm.s32 @!p2 $0x20;
	[sflag:s21] =	ssyncadd.s32 @!p2 $0xFFFFFFE0  }
0x83: {  	[spmem:s1] =	stream.indirect.scatter.add.f32 @!p2 [tilespmem:s28], [sflag:$0x3], $0x80, s24, s22, $0xb8;
	[tilespmem:$0xD480] =	vst v63  }
0x84: {  	_ =	swait.ge @!p2 [sflag:s26], $0x1000  }
0x85: {  	[sflag:s26] =	ssyncset.done @!p2 $0x0  }
0x86: {  	s29 =	simm.s32 @!p2 $0x4;
	s23 =	simm.s32 @!p2 $0x9180;
	[sflag:s26] =	ssyncadd.s32 @!p2 $0xFFFFF000  }
0x87: {  	[spmem:s2] =	stream.indirect.scatter.add.f32 @!p2 [tilespmem:s23], [sflag:$0x4], $0x80, s24, s22, $0xb8;
	[tilespmem:$0xD480] =	vst v63  }
0x88: {  	_ =	swait.ge @!p2 [sflag:s29], $0x1000  }
0x89: {  	[sflag:s29] =	ssyncset.done @!p2 $0x0  }
0x8a: {  	s30 =	simm.s32 @!p1 $0x1;
	[sflag:s29] =	ssyncadd.s32 @!p2 $0xFFFFF000  }
0x8b: {  	_ =	swait.ge @!p1 [sflag:s30], $0x4000  }
0x8c: {  	[sflag:s30] =	ssyncset.done @!p1 $0x0  }
0x8d: {  	[sflag:s30] =	ssyncadd.s32 @!p1 $0xFFFFC000  }
0x8e: {  	_ =	swait.ge @!p1 [sflag:s30], $0x80  }
0x8f: {  	[sflag:s30] =	ssyncset.done @!p1 $0x0  }
0x90: {  	s31 =	simm.s32 @!p1 $0x80;
	[sflag:s30] =	ssyncadd.s32 @!p1 $0xFFFFFF80  }
0x91: {  	[spmem:s1] =	stream.indirect.scatter.add.f32 @!p1 [tilespmem:s19], [sflag:$0x3], $0x80, s20, s31, $0xb8;
	[tilespmem:$0xD480] =	vst v63  }
0x92: {  	s28 =	simm.s32 @!p1 $0x3;
	s22 =	simm.s32 @!p1 $0x9180  }
0x93: {  	[spmem:s2] =	stream.indirect.scatter.add.f32 @!p1 [tilespmem:s22], [sflag:$0x3], $0x80, s20, s31, $0xb8;
	[tilespmem:$0xD480] =	vst v63  }
0x94: {  	_ =	swait.ge @!p1 [sflag:s28], $0x4000  }
0x95: {  	[sflag:s28] =	ssyncset.done @!p1 $0x0  }
0x96: {  	[sflag:s28] =	ssyncadd.s32 @!p1 $0xFFFFC000  }
0x97: {  	_ =	swait.ge @!p1 [sflag:s28], $0x4000  }
0x98: {  	[sflag:s28] =	ssyncset.done @!p1 $0x0  }
0x99: {  	[sflag:s28] =	ssyncadd.s32 @!p1 $0xFFFFC000  }
0x9a: {  	[bflag:$0x0] =	sbarrier.arrive $0xFFFF  }
0x9b: {  	s0 =	sadd.s32 $0xFFFFFFFF, s0;
	s22 =	rddreg [dreg:$0x13]  }
0x9c: {  	[hbm:s22], [sflag:s18] =	dma.local @!p0 [spmem:s5], $0x300  }
0x9d: {  	p4 =	sne.s32 s0, $0x0;
	_ =	swait.ge @!p0 [sflag:s17], $0x300  }
.Ltmp1:
0x9e: {  	[sflag:s17] =	ssyncset.done @!p0 $0x0;
	(pc) =	sbr.rel @!p4 .LBB2_3-.Ltmp1, $4  }
0x9f: {  	s22 =	rddreg [dreg:$0x14];
	[sflag:s17] =	ssyncadd.s32 @!p0 $0xFFFFFD00  }
0xa0: {  	[hbm:s22], [sflag:s18] =	dma.local @!p0 [spmem:s3], $0x300  }
0xa1: {  	_ =	swait.ge @!p0 [sflag:s17], $0x300  }
0xa2: {  	p3 =	por $0x1, $0x1;
	s22 =	rddreg [dreg:$0x6];
	[sflag:s17] =	ssyncset.done @!p0 $0x0  }
.LBB2_4:
0xa3: {  	[sflag:s17] =	ssyncadd.s32 @!p0 $0xFFFFFD00  }
0xa4: {  	[tilespmem:s6], [sflag:$0x5] =	stream.linear.gather [hbm4b:s22+s4], $0x4000, $0x38;
	[tilespmem:$0xD480] =	vst v63  }
0xa5: {  	_ =	swait.ge [sflag:s16], $0x4000  }
0xa6: {  	[sflag:s16] =	ssyncset.done $0x0  }
0xa7: {  	[sflag:s16] =	ssyncadd.s32 $0xFFFFC000  }
0xa8: {  	[spmem:s5], [sflag:s18] =	dma.local @!p0 [hbm:s15], $0x300  }
0xa9: {  	_ =	swait.ge @!p0 [sflag:s17], $0x300  }
0xaa: {  	[sflag:s17] =	ssyncset.done @!p0 $0x0  }
0xab: {  	[sflag:s17] =	ssyncadd.s32 @!p0 $0xFFFFFD00  }
0xac: {  	[spmem:s3], [sflag:s18] =	dma.local @!p0 [hbm:s15], $0x300  }
0xad: {  	_ =	swait.ge @!p0 [sflag:s17], $0x300  }
0xae: {  	[sflag:s17] =	ssyncset.done @!p0 $0x0  }
0xaf: {  	[sflag:s17] =	ssyncadd.s32 @!p0 $0xFFFFFD00  }
0xb0: {  	[bflag:$0x0] =	sbarrier.arrive $0xFFFF  }
0xb1: {  	s25 =	rddreg [dreg:$0x7]  }
0xb2: {  	[tilespmem:s4], [sflag:$0x1] =	stream.linear.gather [hbm4b:s25+s4], $0x4000, $0x38;
	[tilespmem:$0xD480] =	vst v63  }
0xb3: {  	s23 =	rddreg [dreg:$0x8]  }
0xb4: {  	[tilespmem:s13], [sflag:$0x1] =	stream.linear.gather [hbm4b:s23+s4], $0x80, $0x38;
	[tilespmem:$0xD480] =	vst v63  }
0xb5: {  	s22 =	rddreg [dreg:$0x9]  }
0xb6: {  	[tilespmem:s8], [sflag:$0x2] =	stream.linear.gather [hbm4b:s22+s4], $0x4000, $0x38;
	[tilespmem:$0xD480] =	vst v63  }
0xb7: {  	s25 =	rddreg [dreg:$0xa]  }
0xb8: {  	[tilespmem:s9], [sflag:$0x2] =	stream.linear.gather [hbm4b:s25+s4], $0x80, $0x38;
	[tilespmem:$0xD480] =	vst v63  }
0xb9: {  	_ =	swait.ge [sflag:s14], $0x4000  }
0xba: {  	[sflag:s14] =	ssyncset.done $0x0  }
0xbb: {  	[sflag:s14] =	ssyncadd.s32 $0xFFFFC000  }
0xbc: {  	_ =	swait.ge [sflag:s14], $0x80  }
0xbd: {  	[sflag:s14] =	ssyncset.done $0x0  }
0xbe: {  	[sflag:s14] =	ssyncadd.s32 $0xFFFFFF80  }
0xbf: {  	[spmem:s1] =	stream.indirect.scatter.add.f32 [tilespmem:s4], [sflag:$0x3], $0x80, s13, s10, $0xb8;
	[tilespmem:$0xD480] =	vst v63  }
0xc0: {  	_ = 	snop  }
0xc1: {  	[spmem:s2] =	stream.indirect.scatter.add.f32 [tilespmem:s6], [sflag:$0x3], $0x80, s13, s10, $0xb8;
	[tilespmem:$0xD480] =	vst v63  }
0xc2: {  	_ =	swait.ge [sflag:s12], $0x4000  }
0xc3: {  	[sflag:s12] =	ssyncset.done $0x0  }
0xc4: {  	[sflag:s12] =	ssyncadd.s32 $0xFFFFC000  }
0xc5: {  	_ =	swait.ge [sflag:s12], $0x4000  }
0xc6: {  	[sflag:s12] =	ssyncset.done $0x0  }
0xc7: {  	s23 =	rddreg [dreg:$0xb];
	[sflag:s12] =	ssyncadd.s32 $0xFFFFC000  }
0xc8: {  	[tilespmem:s4], [sflag:$0x1] =	stream.linear.gather [hbm4b:s23+s4], $0x4000, $0x38;
	[tilespmem:$0xD480] =	vst v63  }
0xc9: {  	s25 =	rddreg [dreg:$0xc]  }
0xca: {  	[tilespmem:s13], [sflag:$0x1] =	stream.linear.gather [hbm4b:s25+s4], $0x80, $0x38;
	[tilespmem:$0xD480] =	vst v63  }
0xcb: {  	_ =	swait.ge [sflag:s11], $0x4000  }
0xcc: {  	[sflag:s11] =	ssyncset.done $0x0  }
0xcd: {  	[sflag:s11] =	ssyncadd.s32 $0xFFFFC000  }
0xce: {  	_ =	swait.ge [sflag:s11], $0x80  }
0xcf: {  	[sflag:s11] =	ssyncset.done $0x0  }
0xd0: {  	[sflag:s11] =	ssyncadd.s32 $0xFFFFFF80  }
0xd1: {  	[spmem:s1] =	stream.indirect.scatter.add.f32 [tilespmem:s8], [sflag:$0x4], $0x80, s9, s10, $0xb8;
	[tilespmem:$0xD480] =	vst v63  }
0xd2: {  	_ = 	snop  }
0xd3: {  	[spmem:s2] =	stream.indirect.scatter.add.f32 [tilespmem:s6], [sflag:$0x4], $0x80, s9, s10, $0xb8;
	[tilespmem:$0xD480] =	vst v63  }
0xd4: {  	_ =	swait.ge [sflag:s7], $0x4000  }
0xd5: {  	[sflag:s7] =	ssyncset.done $0x0  }
0xd6: {  	[sflag:s7] =	ssyncadd.s32 $0xFFFFC000  }
0xd7: {  	_ =	swait.ge [sflag:s7], $0x4000  }
0xd8: {  	[sflag:s7] =	ssyncset.done $0x0  }
0xd9: {  	s23 =	rddreg [dreg:$0xd];
	[sflag:s7] =	ssyncadd.s32 $0xFFFFC000  }
0xda: {  	[tilespmem:s8], [sflag:$0x2] =	stream.linear.gather [hbm4b:s23+s4], $0x4000, $0x38;
	[tilespmem:$0xD480] =	vst v63  }
0xdb: {  	s25 =	rddreg [dreg:$0xe]  }
0xdc: {  	[tilespmem:s9], [sflag:$0x2] =	stream.linear.gather [hbm4b:s25+s4], $0x80, $0x38;
	[tilespmem:$0xD480] =	vst v63  }
0xdd: {  	_ =	swait.ge [sflag:s14], $0x4000  }
0xde: {  	[sflag:s14] =	ssyncset.done $0x0  }
0xdf: {  	[sflag:s14] =	ssyncadd.s32 $0xFFFFC000  }
0xe0: {  	_ =	swait.ge [sflag:s14], $0x80  }
0xe1: {  	[sflag:s14] =	ssyncset.done $0x0  }
0xe2: {  	[sflag:s14] =	ssyncadd.s32 $0xFFFFFF80  }
0xe3: {  	[spmem:s1] =	stream.indirect.scatter.add.f32 [tilespmem:s4], [sflag:$0x3], $0x80, s13, s10, $0xb8;
	[tilespmem:$0xD480] =	vst v63  }
0xe4: {  	_ = 	snop  }
0xe5: {  	[spmem:s2] =	stream.indirect.scatter.add.f32 [tilespmem:s6], [sflag:$0x3], $0x80, s13, s10, $0xb8;
	[tilespmem:$0xD480] =	vst v63  }
0xe6: {  	_ =	swait.ge [sflag:s12], $0x4000  }
0xe7: {  	[sflag:s12] =	ssyncset.done $0x0  }
0xe8: {  	[sflag:s12] =	ssyncadd.s32 $0xFFFFC000  }
0xe9: {  	_ =	swait.ge [sflag:s12], $0x4000  }
0xea: {  	[sflag:s12] =	ssyncset.done $0x0  }
0xeb: {  	s22 =	rddreg [dreg:$0xf];
	[sflag:s12] =	ssyncadd.s32 $0xFFFFC000  }
0xec: {  	[tilespmem:s19], [sflag:$0x1] =	stream.linear.gather @!p1 [hbm4b:s22+s19], $0x4000, $0x38;
	[tilespmem:$0xD480] =	vst v63  }
0xed: {  	s23 =	rddreg [dreg:$0x10]  }
0xee: {  	[tilespmem:s20], [sflag:$0x1] =	stream.linear.gather @!p1 [hbm4b:s23+s19], $0x80, $0x38;
	[tilespmem:$0xD480] =	vst v63  }
0xef: {  	_ =	swait.ge [sflag:s11], $0x4000  }
0xf0: {  	[sflag:s11] =	ssyncset.done $0x0  }
0xf1: {  	[sflag:s11] =	ssyncadd.s32 $0xFFFFC000  }
0xf2: {  	_ =	swait.ge [sflag:s11], $0x80  }
0xf3: {  	[sflag:s11] =	ssyncset.done $0x0  }
0xf4: {  	[sflag:s11] =	ssyncadd.s32 $0xFFFFFF80  }
0xf5: {  	[spmem:s1] =	stream.indirect.scatter.add.f32 [tilespmem:s8], [sflag:$0x4], $0x80, s9, s10, $0xb8;
	[tilespmem:$0xD480] =	vst v63  }
0xf6: {  	_ = 	snop  }
0xf7: {  	[spmem:s2] =	stream.indirect.scatter.add.f32 [tilespmem:s6], [sflag:$0x4], $0x80, s9, s10, $0xb8;
	[tilespmem:$0xD480] =	vst v63  }
0xf8: {  	_ =	swait.ge [sflag:s7], $0x4000  }
0xf9: {  	[sflag:s7] =	ssyncset.done $0x0  }
0xfa: {  	[sflag:s7] =	ssyncadd.s32 $0xFFFFC000  }
0xfb: {  	_ =	swait.ge [sflag:s7], $0x4000  }
0xfc: {  	s25 =	simm.s32 @!p2 $0x8100;
	[sflag:s7] =	ssyncset.done $0x0  }
0xfd: {  	s23 =	simm.s32 @!p2 $0x0;
	s22 =	rddreg [dreg:$0x11];
	[sflag:s7] =	ssyncadd.s32 $0xFFFFC000  }
0xfe: {  	[tilespmem:s25], [sflag:$0x5] =	stream.linear.gather @!p2 [hbm4b:s22+s23], $0x1000, $0x38;
	[tilespmem:$0xD480] =	vst v63  }
0xff: {  	_ =	swait.ge @!p2 [sflag:s21], $0x1000  }
0x100: {  	[sflag:s21] =	ssyncset.done @!p2 $0x0  }
0x101: {  	s22 =	rddreg [dreg:$0x12];
	[sflag:s21] =	ssyncadd.s32 @!p2 $0xFFFFF000  }
0x102: {  	[tilespmem:s24], [sflag:$0x5] =	stream.linear.gather @!p2 [hbm4b:s22+s23], $0x20, $0x38;
	[tilespmem:$0xD480] =	vst v63  }
0x103: {  	_ =	swait.ge @!p2 [sflag:s21], $0x20  }
0x104: {  	[sflag:s21] =	ssyncset.done @!p2 $0x0  }
0x105: {  	s22 =	simm.s32 @!p2 $0x20;
	[sflag:s21] =	ssyncadd.s32 @!p2 $0xFFFFFFE0  }
0x106: {  	[spmem:s1] =	stream.indirect.scatter.add.f32 @!p2 [tilespmem:s25], [sflag:$0x3], $0x80, s24, s22, $0xb8;
	[tilespmem:$0xD480] =	vst v63  }
0x107: {  	_ =	swait.ge @!p2 [sflag:s26], $0x1000  }
0x108: {  	[sflag:s26] =	ssyncset.done @!p2 $0x0  }
0x109: {  	s23 =	simm.s32 @!p2 $0x9180;
	[sflag:s26] =	ssyncadd.s32 @!p2 $0xFFFFF000  }
0x10a: {  	[spmem:s2] =	stream.indirect.scatter.add.f32 @!p2 [tilespmem:s23], [sflag:$0x4], $0x80, s24, s22, $0xb8;
	[tilespmem:$0xD480] =	vst v63  }
0x10b: {  	_ =	swait.ge @!p2 [sflag:s29], $0x1000  }
0x10c: {  	[sflag:s29] =	ssyncset.done @!p2 $0x0  }
0x10d: {  	[sflag:s29] =	ssyncadd.s32 @!p2 $0xFFFFF000  }
0x10e: {  	_ =	swait.ge @!p1 [sflag:s30], $0x4000  }
0x10f: {  	[sflag:s30] =	ssyncset.done @!p1 $0x0  }
0x110: {  	[sflag:s30] =	ssyncadd.s32 @!p1 $0xFFFFC000  }
0x111: {  	_ =	swait.ge @!p1 [sflag:s30], $0x80  }
0x112: {  	[sflag:s30] =	ssyncset.done @!p1 $0x0  }
0x113: {  	[sflag:s30] =	ssyncadd.s32 @!p1 $0xFFFFFF80  }
0x114: {  	[spmem:s1] =	stream.indirect.scatter.add.f32 @!p1 [tilespmem:s19], [sflag:$0x3], $0x80, s20, s31, $0xb8;
	[tilespmem:$0xD480] =	vst v63  }
0x115: {  	s22 =	simm.s32 @!p1 $0x9180  }
0x116: {  	[spmem:s2] =	stream.indirect.scatter.add.f32 @!p1 [tilespmem:s22], [sflag:$0x3], $0x80, s20, s31, $0xb8;
	[tilespmem:$0xD480] =	vst v63  }
0x117: {  	_ =	swait.ge @!p1 [sflag:s28], $0x4000  }
0x118: {  	[sflag:s28] =	ssyncset.done @!p1 $0x0  }
0x119: {  	[sflag:s28] =	ssyncadd.s32 @!p1 $0xFFFFC000  }
0x11a: {  	_ =	swait.ge @!p1 [sflag:s28], $0x4000  }
0x11b: {  	[sflag:s28] =	ssyncset.done @!p1 $0x0  }
0x11c: {  	[sflag:s28] =	ssyncadd.s32 @!p1 $0xFFFFC000  }
0x11d: {  	[bflag:$0x0] =	sbarrier.arrive $0xFFFF  }
0x11e: {  	s0 =	sadd.s32 $0xFFFFFFFF, s0;
	s22 =	rddreg [dreg:$0x13]  }
0x11f: {  	[hbm:s22], [sflag:s18] =	dma.local @!p0 [spmem:s5], $0x300  }
0x120: {  	p4 =	sne.s32 s0, $0x0;
	_ =	swait.ge @!p0 [sflag:s17], $0x300  }
.Ltmp2:
0x121: {  	[sflag:s17] =	ssyncset.done @!p0 $0x0;
	(pc) =	sbr.rel @p4 .LBB2_4-.Ltmp2, $4  }
0x122: {  	s22 =	rddreg [dreg:$0x14];
	[sflag:s17] =	ssyncadd.s32 @!p0 $0xFFFFFD00  }
0x123: {  	[hbm:s22], [sflag:s18] =	dma.local @!p0 [spmem:s3], $0x300  }
0x124: {  	_ =	swait.ge @!p0 [sflag:s17], $0x300  }
0x125: {  	s22 =	rddreg [dreg:$0x6];
	[sflag:s17] =	ssyncset.done @!p0 $0x0  }
0x126: {  	s18 =	rddreg [dreg:$0x5]  }
.LBB2_6:
0x127: {  	p3 =	por p0, !p3  }
0x128: {  	[sflag:s17] =	ssyncadd.s32 @!p3 $0xFFFFFD00  }
0x129: {  	[tilespmem:s6], [sflag:$0x5] =	stream.linear.gather [hbm4b:s22+s4], $0x4000, $0x38;
	[tilespmem:$0xD480] =	vst v63  }
0x12a: {  	_ =	swait.ge [sflag:s16], $0x4000  }
0x12b: {  	[sflag:s16] =	ssyncset.done $0x0  }
0x12c: {  	s0 =	simm.s32 @!p0 $0x5;
	[sflag:s16] =	ssyncadd.s32 $0xFFFFC000;
	s16 =	simm.s32 @!p0 $0x1C05  }
0x12d: {  	[spmem:s5], [sflag:s16] =	dma.local @!p0 [hbm:s15], $0x300  }
0x12e: {  	_ =	swait.ge @!p0 [sflag:s0], $0x300  }
0x12f: {  	[sflag:s0] =	ssyncset.done @!p0 $0x0  }
0x130: {  	[sflag:s0] =	ssyncadd.s32 @!p0 $0xFFFFFD00  }
0x131: {  	[spmem:s3], [sflag:s16] =	dma.local @!p0 [hbm:s15], $0x300  }
0x132: {  	_ =	swait.ge @!p0 [sflag:s0], $0x300  }
0x133: {  	[sflag:s0] =	ssyncset.done @!p0 $0x0  }
0x134: {  	[sflag:s0] =	ssyncadd.s32 @!p0 $0xFFFFFD00  }
0x135: {  	[bflag:$0x0] =	sbarrier.arrive $0xFFFF  }
0x136: {  	s23 =	rddreg [dreg:$0x7]  }
0x137: {  	[tilespmem:s4], [sflag:$0x1] =	stream.linear.gather [hbm4b:s23+s4], $0x4000, $0x38;
	[tilespmem:$0xD480] =	vst v63  }
0x138: {  	s24 =	rddreg [dreg:$0x8]  }
0x139: {  	[tilespmem:s13], [sflag:$0x1] =	stream.linear.gather [hbm4b:s24+s4], $0x80, $0x38;
	[tilespmem:$0xD480] =	vst v63  }
0x13a: {  	s25 =	rddreg [dreg:$0x9]  }
0x13b: {  	[tilespmem:s8], [sflag:$0x2] =	stream.linear.gather [hbm4b:s25+s4], $0x4000, $0x38;
	[tilespmem:$0xD480] =	vst v63  }
0x13c: {  	s26 =	rddreg [dreg:$0xa]  }
0x13d: {  	[tilespmem:s9], [sflag:$0x2] =	stream.linear.gather [hbm4b:s26+s4], $0x80, $0x38;
	[tilespmem:$0xD480] =	vst v63  }
0x13e: {  	_ =	swait.ge [sflag:s14], $0x4000  }
0x13f: {  	[sflag:s14] =	ssyncset.done $0x0  }
0x140: {  	[sflag:s14] =	ssyncadd.s32 $0xFFFFC000  }
0x141: {  	_ =	swait.ge [sflag:s14], $0x80  }
0x142: {  	[sflag:s14] =	ssyncset.done $0x0  }
0x143: {  	[sflag:s14] =	ssyncadd.s32 $0xFFFFFF80  }
0x144: {  	[spmem:s1] =	stream.indirect.scatter.add.f32 [tilespmem:s4], [sflag:$0x3], $0x80, s13, s10, $0xb8;
	[tilespmem:$0xD480] =	vst v63  }
0x145: {  	_ = 	snop  }
0x146: {  	[spmem:s2] =	stream.indirect.scatter.add.f32 [tilespmem:s6], [sflag:$0x3], $0x80, s13, s10, $0xb8;
	[tilespmem:$0xD480] =	vst v63  }
0x147: {  	_ =	swait.ge [sflag:s12], $0x4000  }
0x148: {  	[sflag:s12] =	ssyncset.done $0x0  }
0x149: {  	[sflag:s12] =	ssyncadd.s32 $0xFFFFC000  }
0x14a: {  	_ =	swait.ge [sflag:s12], $0x4000  }
0x14b: {  	[sflag:s12] =	ssyncset.done $0x0  }
0x14c: {  	s28 =	rddreg [dreg:$0xb];
	[sflag:s12] =	ssyncadd.s32 $0xFFFFC000  }
0x14d: {  	[tilespmem:s4], [sflag:$0x1] =	stream.linear.gather [hbm4b:s28+s4], $0x4000, $0x38;
	[tilespmem:$0xD480] =	vst v63  }
0x14e: {  	s29 =	rddreg [dreg:$0xc]  }
0x14f: {  	[tilespmem:s13], [sflag:$0x1] =	stream.linear.gather [hbm4b:s29+s4], $0x80, $0x38;
	[tilespmem:$0xD480] =	vst v63  }
0x150: {  	_ =	swait.ge [sflag:s11], $0x4000  }
0x151: {  	[sflag:s11] =	ssyncset.done $0x0  }
0x152: {  	[sflag:s11] =	ssyncadd.s32 $0xFFFFC000  }
0x153: {  	_ =	swait.ge [sflag:s11], $0x80  }
0x154: {  	[sflag:s11] =	ssyncset.done $0x0  }
0x155: {  	[sflag:s11] =	ssyncadd.s32 $0xFFFFFF80  }
0x156: {  	[spmem:s1] =	stream.indirect.scatter.add.f32 [tilespmem:s8], [sflag:$0x4], $0x80, s9, s10, $0xb8;
	[tilespmem:$0xD480] =	vst v63  }
0x157: {  	_ = 	snop  }
0x158: {  	[spmem:s2] =	stream.indirect.scatter.add.f32 [tilespmem:s6], [sflag:$0x4], $0x80, s9, s10, $0xb8;
	[tilespmem:$0xD480] =	vst v63  }
0x159: {  	_ =	swait.ge [sflag:s7], $0x4000  }
0x15a: {  	[sflag:s7] =	ssyncset.done $0x0  }
0x15b: {  	[sflag:s7] =	ssyncadd.s32 $0xFFFFC000  }
0x15c: {  	_ =	swait.ge [sflag:s7], $0x4000  }
0x15d: {  	[sflag:s7] =	ssyncset.done $0x0  }
0x15e: {  	s30 =	rddreg [dreg:$0xd];
	[sflag:s7] =	ssyncadd.s32 $0xFFFFC000  }
0x15f: {  	[tilespmem:s8], [sflag:$0x2] =	stream.linear.gather [hbm4b:s30+s4], $0x4000, $0x38;
	[tilespmem:$0xD480] =	vst v63  }
0x160: {  	s31 =	rddreg [dreg:$0xe]  }
0x161: {  	[tilespmem:s9], [sflag:$0x2] =	stream.linear.gather [hbm4b:s31+s4], $0x80, $0x38;
	[tilespmem:$0xD480] =	vst v63  }
0x162: {  	_ =	swait.ge [sflag:s14], $0x4000  }
0x163: {  	[sflag:s14] =	ssyncset.done $0x0  }
0x164: {  	[sflag:s14] =	ssyncadd.s32 $0xFFFFC000  }
0x165: {  	_ =	swait.ge [sflag:s14], $0x80  }
0x166: {  	[sflag:s14] =	ssyncset.done $0x0  }
0x167: {  	[sflag:s14] =	ssyncadd.s32 $0xFFFFFF80  }
0x168: {  	[spmem:s1] =	stream.indirect.scatter.add.f32 [tilespmem:s4], [sflag:$0x3], $0x80, s13, s10, $0xb8;
	[tilespmem:$0xD480] =	vst v63  }
0x169: {  	_ = 	snop  }
0x16a: {  	[spmem:s2] =	stream.indirect.scatter.add.f32 [tilespmem:s6], [sflag:$0x3], $0x80, s13, s10, $0xb8;
	[tilespmem:$0xD480] =	vst v63  }
0x16b: {  	_ =	swait.ge [sflag:s12], $0x4000  }
0x16c: {  	[sflag:s12] =	ssyncset.done $0x0  }
0x16d: {  	[sflag:s12] =	ssyncadd.s32 $0xFFFFC000  }
0x16e: {  	_ =	swait.ge [sflag:s12], $0x4000  }
0x16f: {  	[sflag:s12] =	ssyncset.done $0x0  }
0x170: {  	s4 =	rddreg [dreg:$0xf];
	[sflag:s12] =	ssyncadd.s32 $0xFFFFC000;
	s12 =	simm.s32 @!p1 $0x0  }
0x171: {  	[tilespmem:s12], [sflag:$0x1] =	stream.linear.gather @!p1 [hbm4b:s4+s12], $0x4000, $0x38;
	[tilespmem:$0xD480] =	vst v63  }
0x172: {  	s13 =	rddreg [dreg:$0x10];
	s4 =	simm.s32 @!p1 $0x8000  }
0x173: {  	[tilespmem:s4], [sflag:$0x1] =	stream.linear.gather @!p1 [hbm4b:s13+s12], $0x80, $0x38;
	[tilespmem:$0xD480] =	vst v63  }
0x174: {  	_ =	swait.ge [sflag:s11], $0x4000  }
0x175: {  	[sflag:s11] =	ssyncset.done $0x0  }
0x176: {  	[sflag:s11] =	ssyncadd.s32 $0xFFFFC000  }
0x177: {  	_ =	swait.ge [sflag:s11], $0x80  }
0x178: {  	[sflag:s11] =	ssyncset.done $0x0  }
0x179: {  	[sflag:s11] =	ssyncadd.s32 $0xFFFFFF80  }
0x17a: {  	[spmem:s1] =	stream.indirect.scatter.add.f32 [tilespmem:s8], [sflag:$0x4], $0x80, s9, s10, $0xb8;
	[tilespmem:$0xD480] =	vst v63  }
0x17b: {  	_ = 	snop  }
0x17c: {  	[spmem:s2] =	stream.indirect.scatter.add.f32 [tilespmem:s6], [sflag:$0x4], $0x80, s9, s10, $0xb8;
	[tilespmem:$0xD480] =	vst v63  }
0x17d: {  	_ =	swait.ge [sflag:s7], $0x4000  }
0x17e: {  	[sflag:s7] =	ssyncset.done $0x0  }
0x17f: {  	[sflag:s7] =	ssyncadd.s32 $0xFFFFC000  }
0x180: {  	_ =	swait.ge [sflag:s7], $0x4000  }
0x181: {  	s8 =	simm.s32 @!p2 $0x5;
	s9 =	simm.s32 @!p2 $0x8100;
	[sflag:s7] =	ssyncset.done $0x0  }
0x182: {  	s6 =	rddreg [dreg:$0x11];
	[sflag:s7] =	ssyncadd.s32 $0xFFFFC000;
	s7 =	simm.s32 @!p2 $0x0  }
0x183: {  	[tilespmem:s9], [sflag:$0x5] =	stream.linear.gather @!p2 [hbm4b:s6+s7], $0x1000, $0x38;
	[tilespmem:$0xD480] =	vst v63  }
0x184: {  	_ =	swait.ge @!p2 [sflag:s8], $0x1000  }
0x185: {  	[sflag:s8] =	ssyncset.done @!p2 $0x0  }
0x186: {  	s10 =	simm.s32 @!p2 $0x9100;
	s6 =	rddreg [dreg:$0x12];
	[sflag:s8] =	ssyncadd.s32 @!p2 $0xFFFFF000  }
0x187: {  	[tilespmem:s10], [sflag:$0x5] =	stream.linear.gather @!p2 [hbm4b:s6+s7], $0x20, $0x38;
	[tilespmem:$0xD480] =	vst v63  }
0x188: {  	_ =	swait.ge @!p2 [sflag:s8], $0x20  }
0x189: {  	[sflag:s8] =	ssyncset.done @!p2 $0x0  }
0x18a: {  	s6 =	simm.s32 @!p2 $0x20;
	s7 =	simm.s32 @!p2 $0x3;
	[sflag:s8] =	ssyncadd.s32 @!p2 $0xFFFFFFE0  }
0x18b: {  	[spmem:s1] =	stream.indirect.scatter.add.f32 @!p2 [tilespmem:s9], [sflag:$0x3], $0x80, s10, s6, $0xb8;
	[tilespmem:$0xD480] =	vst v63  }
0x18c: {  	_ =	swait.ge @!p2 [sflag:s7], $0x1000  }
0x18d: {  	[sflag:s7] =	ssyncset.done @!p2 $0x0  }
0x18e: {  	s8 =	simm.s32 @!p2 $0x4;
	[sflag:s7] =	ssyncadd.s32 @!p2 $0xFFFFF000;
	s7 =	simm.s32 @!p2 $0x9180  }
0x18f: {  	[spmem:s2] =	stream.indirect.scatter.add.f32 @!p2 [tilespmem:s7], [sflag:$0x4], $0x80, s10, s6, $0xb8;
	[tilespmem:$0xD480] =	vst v63  }
0x190: {  	_ =	swait.ge @!p2 [sflag:s8], $0x1000  }
0x191: {  	[sflag:s8] =	ssyncset.done @!p2 $0x0  }
0x192: {  	s6 =	simm.s32 @!p1 $0x1;
	[sflag:s8] =	ssyncadd.s32 @!p2 $0xFFFFF000  }
0x193: {  	_ =	swait.ge @!p1 [sflag:s6], $0x4000  }
0x194: {  	[sflag:s6] =	ssyncset.done @!p1 $0x0  }
0x195: {  	[sflag:s6] =	ssyncadd.s32 @!p1 $0xFFFFC000  }
0x196: {  	_ =	swait.ge @!p1 [sflag:s6], $0x80  }
0x197: {  	[sflag:s6] =	ssyncset.done @!p1 $0x0  }
0x198: {  	[sflag:s6] =	ssyncadd.s32 @!p1 $0xFFFFFF80;
	s6 =	simm.s32 @!p1 $0x80  }
0x199: {  	[spmem:s1] =	stream.indirect.scatter.add.f32 @!p1 [tilespmem:s12], [sflag:$0x3], $0x80, s4, s6, $0xb8;
	[tilespmem:$0xD480] =	vst v63  }
0x19a: {  	s7 =	simm.s32 @!p1 $0x3;
	s1 =	simm.s32 @!p1 $0x9180  }
0x19b: {  	[spmem:s2] =	stream.indirect.scatter.add.f32 @!p1 [tilespmem:s1], [sflag:$0x3], $0x80, s4, s6, $0xb8;
	[tilespmem:$0xD480] =	vst v63  }
0x19c: {  	_ =	swait.ge @!p1 [sflag:s7], $0x4000  }
0x19d: {  	[sflag:s7] =	ssyncset.done @!p1 $0x0  }
0x19e: {  	[sflag:s7] =	ssyncadd.s32 @!p1 $0xFFFFC000  }
0x19f: {  	_ =	swait.ge @!p1 [sflag:s7], $0x4000  }
0x1a0: {  	[sflag:s7] =	ssyncset.done @!p1 $0x0  }
0x1a1: {  	[sflag:s7] =	ssyncadd.s32 @!p1 $0xFFFFC000  }
0x1a2: {  	[bflag:$0x0] =	sbarrier.arrive $0xFFFF  }
0x1a3: {  	s1 =	rddreg [dreg:$0x13]  }
0x1a4: {  	[hbm:s1], [sflag:s16] =	dma.local @!p0 [spmem:s5], $0x300  }
0x1a5: {  	_ =	swait.ge @!p0 [sflag:s0], $0x300  }
0x1a6: {  	[sflag:s0] =	ssyncset.done @!p0 $0x0  }
0x1a7: {  	s1 =	rddreg [dreg:$0x14];
	[sflag:s0] =	ssyncadd.s32 @!p0 $0xFFFFFD00  }
0x1a8: {  	[hbm:s1], [sflag:s16] =	dma.local @!p0 [spmem:s3], $0x300  }
0x1a9: {  	_ =	swait.ge @!p0 [sflag:s0], $0x300  }
0x1aa: {  	[sflag:s0] =	ssyncset.done @!p0 $0x0  }
0x1ab: {  	[sflag:s0] =	ssyncadd.s32 @!p0 $0xFFFFFD00  }
0x1ac: {  	_ =	sfence.sel $0x180000  }
0x1ad: {  	[bflag:$0x0] =	sbarrier.arrive $0xFFFF  }
0x1ae: {  	_ =	strace $0x90000047  }
0x1af: {  	s0 =	sadd.s32 @!p0 $0x100000, s18;
	[bflag:$0x2] =	sbarrier.arrive $0xFFFF  }
0x1b0: {  	[sflag:s0] =	ssyncadd.tile.s32 @!p0 $0x1;
	_ =	shalt  }
.LBB2_1:
.Ltmp3:
0x1b1: {  	(pc) =	sbr.rel .LBB2_6-.Ltmp3, $2  }
0x1b2: {  	_ =	sdelay $0x2  }
0x1b3: {  	_ = 	snop  }
.LBB2_3:
.Ltmp4:
0x1b4: {  	(pc) =	sbr.rel .LBB2_6-.Ltmp4, $2  }
0x1b5: {  	_ =	sdelay $0x2  }
0x1b6: {  	s18 =	rddreg [dreg:$0x5]  }
.Lfunc_end2:
_tile_overlayer_lowered:
.L_overlay_start_2:
0x1b7: {  	(tag) =	ssettag $0x2  }
0x1b8: {  	s0 =	rddreg [dreg:$0x0];
	s2 =	stileid.u32  }
0x1b9: {  	s1 =	rddreg [dreg:$0x1];
	p0 =	sne.s32 s2, $0x0  }
0x1ba: {  	s3 =	rddreg [dreg:$0x2];
	[bflag:$0x3] =	sbarrier.arrive $0xFFFF;
	s2 =	simm.s32 @!p0 $0x1C05  }
0x1bb: {  	[timem:s3], [sflag:s2] =	dma.local @!p0 [hbm:s0], s1  }
0x1bc: {  	s0 =	simm.s32 @!p0 $0x5  }
0x1bd: {  	_ =	swait.ge @!p0 [sflag:s0], s1  }
0x1be: {  	s1 =	ssub.s32 @!p0 $0x0, s1;
	[sflag:s0] =	ssyncset.done @!p0 $0x0  }
0x1bf: {  	[sflag:s0] =	ssyncadd.s32 @!p0 s1  }
0x1c0: {  	[bflag:$0x3] =	sbarrier.arrive $0xFFFF  }
0x1c1: {  	_ =	shalt  }

</sc_bundles>
